<compile_context>
chip_gen: v7x
topology: tpu7x:2x2x1
jax: 0.10.2.dev20260603
libtpu: 0.0.44.dev20260713+nightly
codegen_flags: <defaults>
</compile_context>

<pallas_src>
import functools

import jax
import jax.numpy as jnp
from jax import lax
from jax.experimental import pallas as pl
from jax.experimental.pallas import tpu as pltpu
from jax.experimental.pallas import tpu_sc as plsc

B = 16384
DO = 20
NC, NS = 2, 16
NW = NC * NS
BPW = B // NW
NB = BPW // 16


def _lut_body(tab_ref, w21_ref, b21_ref, w22_ref, b22_ref, out_ref):
    h = jnp.maximum(tab_ref[...], 0.0)
    w = jnp.concatenate([w21_ref[...], w22_ref[...]], axis=1)
    lut = jnp.dot(h, w, preferred_element_type=jnp.float32)
    b = jnp.concatenate(
        [b21_ref[...].reshape(1, DO), b22_ref[...].reshape(1, DO)], axis=1)
    lutT = (lut + b).T
    out_ref[...] = jnp.pad(lutT, ((0, 0), (0, 6)))


def _make_lutT(table, W21, b21, W22, b22):
    return pl.pallas_call(
        _lut_body,
        out_shape=jax.ShapeDtypeStruct((2 * DO, 16), jnp.float32),
    )(table, W21, b21, W22, b22)


@functools.partial(
    pl.kernel,
    out_type=(
        jax.ShapeDtypeStruct((DO, B), jnp.float32),
        jax.ShapeDtypeStruct((DO, B), jnp.float32),
    ),
    mesh=plsc.VectorSubcoreMesh(core_axis_name="c", subcore_axis_name="s"),
    compiler_params=pltpu.CompilerParams(needs_layout_passes=False),
    scratch_types=[
        pltpu.VMEM((BPW,), jnp.int32),
        pltpu.VMEM((2 * DO, 16), jnp.float32),
        pltpu.VMEM((DO, BPW), jnp.float32),
        pltpu.VMEM((DO, BPW), jnp.float32),
        pltpu.SemaphoreType.DMA,
        pltpu.SemaphoreType.DMA,
    ],
)
def _sc_gather(x_hbm, lutT_hbm, cmu_hbm, clv_hbm, idx_v, lut_v, cmu_v, clv_v,
               sem_i, sem_l):
    wid = lax.axis_index("c") * NS + lax.axis_index("s")
    base = wid * BPW
    cp_i = pltpu.async_copy(x_hbm.at[pl.ds(base, BPW)], idx_v, sem_i)
    cp_l = pltpu.async_copy(lutT_hbm, lut_v, sem_l)
    cp_i.wait()
    cp_l.wait()
    cols = [lut_v[j, :] for j in range(2 * DO)]

    def body(bb, carry):
        xv = idx_v[pl.ds(bb * 16, 16)]
        for j in range(DO):
            cmu_v[j, pl.ds(bb * 16, 16)] = jnp.take_along_axis(
                cols[j], xv, axis=0)
            clv_v[j, pl.ds(bb * 16, 16)] = jnp.take_along_axis(
                cols[j + DO], xv, axis=0)
        return carry

    lax.fori_loop(0, NB, body, 0)
    cp_mu = pltpu.async_copy(cmu_v, cmu_hbm.at[:, pl.ds(base, BPW)], sem_i)
    cp_lv = pltpu.async_copy(clv_v, clv_hbm.at[:, pl.ds(base, BPW)], sem_l)
    cp_mu.wait()
    cp_lv.wait()


@jax.jit
def kernel(x, table, W21, b21, W22, b22):
    lutT = _make_lutT(table, W21, b21, W22, b22)
    cmu, clv = _sc_gather(x.astype(jnp.int32), lutT)
    return cmu.T, clv.T

# --- scband reference (transcript-rebuilt; emitter-appended) ---
"""Pipeline reference for scband-text-encoder-13486197310096 (READ-ONLY COPY).

The authoritative reference and input builder live on the scoring server;
editing this copy changes nothing except your own understanding.
"""

import jax, jax.numpy as jnp
import numpy as np


def setup_inputs(seed: int = 0) -> dict:
    key = jax.random.key(seed)
    k1, k2, k3, k4, k5, k6 = jax.random.split(key, 6)
    B = 16384
    x = jax.random.randint(k1, (B,), 0, 10, dtype=jnp.int64 if jax.config.jax_enable_x64 else jnp.int32)
    # Embedding table: nn.Embedding(10, 50)
    table = jax.random.normal(k2, (10, 50), dtype=jnp.float32)
    # fc21: Linear(50, 20); fc22: Linear(50, 20)
    W21 = jax.random.normal(k3, (50, 20), dtype=jnp.float32) * 0.1
    b21 = jax.random.normal(k4, (20,), dtype=jnp.float32) * 0.1
    W22 = jax.random.normal(k5, (50, 20), dtype=jnp.float32) * 0.1
    b22 = jax.random.normal(k6, (20,), dtype=jnp.float32) * 0.1
    return {"x": x, "table": table, "W21": W21, "b21": b21, "W22": W22, "b22": b22}


def reference(x, table, W21, b21, W22, b22):
    # h = relu(embedding(x))
    h = jax.nn.relu(jnp.take(table, x, axis=0))
    mu = h @ W21 + b21
    logvar = h @ W22 + b22
    return (mu, logvar)

if __name__ == "__main__":
    import jax
    _d = setup_inputs()
    print(jax.jit(kernel)(*tuple(_d.values())))

</pallas_src>

<mosaic_0001>
#map = affine_map<(d0, d1) -> (0)>
#map1 = affine_map<(d0, d1) -> (0, 0)>
module attributes {stable_mosaic.version = 14 : i64} {
  func.func @_sc_gather(%arg0: i32, %arg1: i32, %arg2: memref<16384xi32, #tpu.memory_space<hbm>>, %arg3: memref<40x16xf32, #tpu.memory_space<hbm>>, %arg4: memref<20x16384xf32, #tpu.memory_space<hbm>>, %arg5: memref<20x16384xf32, #tpu.memory_space<hbm>>, %arg6: memref<512xi32, #tpu.memory_space<vmem>>, %arg7: memref<40x16xf32, #tpu.memory_space<vmem>>, %arg8: memref<20x512xf32, #tpu.memory_space<vmem>>, %arg9: memref<20x512xf32, #tpu.memory_space<vmem>>, %arg10: memref<!tpu.dma_semaphore, #tpu.memory_space<semaphore_mem>>, %arg11: memref<!tpu.dma_semaphore, #tpu.memory_space<semaphore_mem>>) attributes {dimension_semantics = [#tpu.dimension_semantics<core_parallel>, #tpu.dimension_semantics<subcore_parallel>], iteration_bounds = array<i64: 2, 16>, scalar_prefetch = 0 : i64, scratch_operands = 6 : i64, tpu.core_type = #tpu.core_type<sc_vector_subcore>, window_params = [{transform_indices = #map}, {transform_indices = #map1}, {transform_indices = #map1}, {transform_indices = #map1}]} {
    %mul3A = arith.constant 16 : i32
    %mul3A_0 = arith.muli %arg0, %mul3A : i32
    %add3A = arith.addi %mul3A_0, %arg1 : i32
    %mul3A_1 = arith.constant 512 : i32
    %mul3A_2 = arith.muli %add3A, %mul3A_1 : i32
    %dma_start3A = tpu.memref_slice %arg2[%mul3A_2] : memref<16384xi32, #tpu.memory_space<hbm>> -> memref<512xi32, #tpu.memory_space<hbm>>
    %dma_start3A_3 = tpu.memref_slice %arg2[%mul3A_2] : memref<16384xi32, #tpu.memory_space<hbm>> -> memref<512xi32, #tpu.memory_space<hbm>>
    tpu.enqueue_dma source(%dma_start3A_3 : memref<512xi32, #tpu.memory_space<hbm>>) target(%arg6 : memref<512xi32, #tpu.memory_space<vmem>>) target_semaphore(%arg10 : memref<!tpu.dma_semaphore, #tpu.memory_space<semaphore_mem>>)
    tpu.enqueue_dma source(%arg3 : memref<40x16xf32, #tpu.memory_space<hbm>>) target(%arg7 : memref<40x16xf32, #tpu.memory_space<vmem>>) target_semaphore(%arg11 : memref<!tpu.dma_semaphore, #tpu.memory_space<semaphore_mem>>)
    %dma_wait3A = tpu.memref_slice %arg2[%mul3A_2] : memref<16384xi32, #tpu.memory_space<hbm>> -> memref<512xi32, #tpu.memory_space<hbm>>
    %dma_wait3A_4 = tpu.memref_slice %arg2[%mul3A_2] : memref<16384xi32, #tpu.memory_space<hbm>> -> memref<512xi32, #tpu.memory_space<hbm>>
    tpu.wait_dma2 semaphore(%arg10 : memref<!tpu.dma_semaphore, #tpu.memory_space<semaphore_mem>>) src(%dma_wait3A_4 : memref<512xi32, #tpu.memory_space<hbm>>) dst(%arg6 : memref<512xi32, #tpu.memory_space<vmem>>)
    tpu.wait_dma2 semaphore(%arg11 : memref<!tpu.dma_semaphore, #tpu.memory_space<semaphore_mem>>) src(%arg3 : memref<40x16xf32, #tpu.memory_space<hbm>>) dst(%arg7 : memref<40x16xf32, #tpu.memory_space<vmem>>)
    %get3A = arith.constant 0 : i32
    %get3A_5 = arith.index_cast %get3A : i32 to index
    %get3A_6 = arith.constant 0 : index
    %get3A_7 = tpu.vector_load %arg7[%get3A_5, %get3A_6] {strides = array<i32>} : memref<40x16xf32, #tpu.memory_space<vmem>>, vector<16xf32>,
    %get3A_8 = arith.constant 1 : i32
    %get3A_9 = arith.index_cast %get3A_8 : i32 to index
    %get3A_10 = arith.constant 0 : index
    %get3A_11 = tpu.vector_load %arg7[%get3A_9, %get3A_10] {strides = array<i32>} : memref<40x16xf32, #tpu.memory_space<vmem>>, vector<16xf32>,
    %get3A_12 = arith.constant 2 : i32
    %get3A_13 = arith.index_cast %get3A_12 : i32 to index
    %get3A_14 = arith.constant 0 : index
    %get3A_15 = tpu.vector_load %arg7[%get3A_13, %get3A_14] {strides = array<i32>} : memref<40x16xf32, #tpu.memory_space<vmem>>, vector<16xf32>,
    %get3A_16 = arith.constant 3 : i32
    %get3A_17 = arith.index_cast %get3A_16 : i32 to index
    %get3A_18 = arith.constant 0 : index
    %get3A_19 = tpu.vector_load %arg7[%get3A_17, %get3A_18] {strides = array<i32>} : memref<40x16xf32, #tpu.memory_space<vmem>>, vector<16xf32>,
    %get3A_20 = arith.constant 4 : i32
    %get3A_21 = arith.index_cast %get3A_20 : i32 to index
    %get3A_22 = arith.constant 0 : index
    %get3A_23 = tpu.vector_load %arg7[%get3A_21, %get3A_22] {strides = array<i32>} : memref<40x16xf32, #tpu.memory_space<vmem>>, vector<16xf32>,
    %get3A_24 = arith.constant 5 : i32
    %get3A_25 = arith.index_cast %get3A_24 : i32 to index
    %get3A_26 = arith.constant 0 : index
    %get3A_27 = tpu.vector_load %arg7[%get3A_25, %get3A_26] {strides = array<i32>} : memref<40x16xf32, #tpu.memory_space<vmem>>, vector<16xf32>,
    %get3A_28 = arith.constant 6 : i32
    %get3A_29 = arith.index_cast %get3A_28 : i32 to index
    %get3A_30 = arith.constant 0 : index
    %get3A_31 = tpu.vector_load %arg7[%get3A_29, %get3A_30] {strides = array<i32>} : memref<40x16xf32, #tpu.memory_space<vmem>>, vector<16xf32>,
    %get3A_32 = arith.constant 7 : i32
    %get3A_33 = arith.index_cast %get3A_32 : i32 to index
    %get3A_34 = arith.constant 0 : index
    %get3A_35 = tpu.vector_load %arg7[%get3A_33, %get3A_34] {strides = array<i32>} : memref<40x16xf32, #tpu.memory_space<vmem>>, vector<16xf32>,
    %get3A_36 = arith.constant 8 : i32
    %get3A_37 = arith.index_cast %get3A_36 : i32 to index
    %get3A_38 = arith.constant 0 : index
    %get3A_39 = tpu.vector_load %arg7[%get3A_37, %get3A_38] {strides = array<i32>} : memref<40x16xf32, #tpu.memory_space<vmem>>, vector<16xf32>,
    %get3A_40 = arith.constant 9 : i32
    %get3A_41 = arith.index_cast %get3A_40 : i32 to index
    %get3A_42 = arith.constant 0 : index
    %get3A_43 = tpu.vector_load %arg7[%get3A_41, %get3A_42] {strides = array<i32>} : memref<40x16xf32, #tpu.memory_space<vmem>>, vector<16xf32>,
    %get3A_44 = arith.constant 10 : i32
    %get3A_45 = arith.index_cast %get3A_44 : i32 to index
    %get3A_46 = arith.constant 0 : index
    %get3A_47 = tpu.vector_load %arg7[%get3A_45, %get3A_46] {strides = array<i32>} : memref<40x16xf32, #tpu.memory_space<vmem>>, vector<16xf32>,
    %get3A_48 = arith.constant 11 : i32
    %get3A_49 = arith.index_cast %get3A_48 : i32 to index
    %get3A_50 = arith.constant 0 : index
    %get3A_51 = tpu.vector_load %arg7[%get3A_49, %get3A_50] {strides = array<i32>} : memref<40x16xf32, #tpu.memory_space<vmem>>, vector<16xf32>,
    %get3A_52 = arith.constant 12 : i32
    %get3A_53 = arith.index_cast %get3A_52 : i32 to index
    %get3A_54 = arith.constant 0 : index
    %get3A_55 = tpu.vector_load %arg7[%get3A_53, %get3A_54] {strides = array<i32>} : memref<40x16xf32, #tpu.memory_space<vmem>>, vector<16xf32>,
    %get3A_56 = arith.constant 13 : i32
    %get3A_57 = arith.index_cast %get3A_56 : i32 to index
    %get3A_58 = arith.constant 0 : index
    %get3A_59 = tpu.vector_load %arg7[%get3A_57, %get3A_58] {strides = array<i32>} : memref<40x16xf32, #tpu.memory_space<vmem>>, vector<16xf32>,
    %get3A_60 = arith.constant 14 : i32
    %get3A_61 = arith.index_cast %get3A_60 : i32 to index
    %get3A_62 = arith.constant 0 : index
    %get3A_63 = tpu.vector_load %arg7[%get3A_61, %get3A_62] {strides = array<i32>} : memref<40x16xf32, #tpu.memory_space<vmem>>, vector<16xf32>,
    %get3A_64 = arith.constant 15 : i32
    %get3A_65 = arith.index_cast %get3A_64 : i32 to index
    %get3A_66 = arith.constant 0 : index
    %get3A_67 = tpu.vector_load %arg7[%get3A_65, %get3A_66] {strides = array<i32>} : memref<40x16xf32, #tpu.memory_space<vmem>>, vector<16xf32>,
    %get3A_68 = arith.constant 16 : i32
    %get3A_69 = arith.index_cast %get3A_68 : i32 to index
    %get3A_70 = arith.constant 0 : index
    %get3A_71 = tpu.vector_load %arg7[%get3A_69, %get3A_70] {strides = array<i32>} : memref<40x16xf32, #tpu.memory_space<vmem>>, vector<16xf32>,
    %get3A_72 = arith.constant 17 : i32
    %get3A_73 = arith.index_cast %get3A_72 : i32 to index
    %get3A_74 = arith.constant 0 : index
    %get3A_75 = tpu.vector_load %arg7[%get3A_73, %get3A_74] {strides = array<i32>} : memref<40x16xf32, #tpu.memory_space<vmem>>, vector<16xf32>,
    %get3A_76 = arith.constant 18 : i32
    %get3A_77 = arith.index_cast %get3A_76 : i32 to index
    %get3A_78 = arith.constant 0 : index
    %get3A_79 = tpu.vector_load %arg7[%get3A_77, %get3A_78] {strides = array<i32>} : memref<40x16xf32, #tpu.memory_space<vmem>>, vector<16xf32>,
    %get3A_80 = arith.constant 19 : i32
    %get3A_81 = arith.index_cast %get3A_80 : i32 to index
    %get3A_82 = arith.constant 0 : index
    %get3A_83 = tpu.vector_load %arg7[%get3A_81, %get3A_82] {strides = array<i32>} : memref<40x16xf32, #tpu.memory_space<vmem>>, vector<16xf32>,
    %get3A_84 = arith.constant 20 : i32
    %get3A_85 = arith.index_cast %get3A_84 : i32 to index
    %get3A_86 = arith.constant 0 : index
    %get3A_87 = tpu.vector_load %arg7[%get3A_85, %get3A_86] {strides = array<i32>} : memref<40x16xf32, #tpu.memory_space<vmem>>, vector<16xf32>,
    %get3A_88 = arith.constant 21 : i32
    %get3A_89 = arith.index_cast %get3A_88 : i32 to index
    %get3A_90 = arith.constant 0 : index
    %get3A_91 = tpu.vector_load %arg7[%get3A_89, %get3A_90] {strides = array<i32>} : memref<40x16xf32, #tpu.memory_space<vmem>>, vector<16xf32>,
    %get3A_92 = arith.constant 22 : i32
    %get3A_93 = arith.index_cast %get3A_92 : i32 to index
    %get3A_94 = arith.constant 0 : index
    %get3A_95 = tpu.vector_load %arg7[%get3A_93, %get3A_94] {strides = array<i32>} : memref<40x16xf32, #tpu.memory_space<vmem>>, vector<16xf32>,
    %get3A_96 = arith.constant 23 : i32
    %get3A_97 = arith.index_cast %get3A_96 : i32 to index
    %get3A_98 = arith.constant 0 : index
    %get3A_99 = tpu.vector_load %arg7[%get3A_97, %get3A_98] {strides = array<i32>} : memref<40x16xf32, #tpu.memory_space<vmem>>, vector<16xf32>,
    %get3A_100 = arith.constant 24 : i32
    %get3A_101 = arith.index_cast %get3A_100 : i32 to index
    %get3A_102 = arith.constant 0 : index
    %get3A_103 = tpu.vector_load %arg7[%get3A_101, %get3A_102] {strides = array<i32>} : memref<40x16xf32, #tpu.memory_space<vmem>>, vector<16xf32>,
    %get3A_104 = arith.constant 25 : i32
    %get3A_105 = arith.index_cast %get3A_104 : i32 to index
    %get3A_106 = arith.constant 0 : index
    %get3A_107 = tpu.vector_load %arg7[%get3A_105, %get3A_106] {strides = array<i32>} : memref<40x16xf32, #tpu.memory_space<vmem>>, vector<16xf32>,
    %get3A_108 = arith.constant 26 : i32
    %get3A_109 = arith.index_cast %get3A_108 : i32 to index
    %get3A_110 = arith.constant 0 : index
    %get3A_111 = tpu.vector_load %arg7[%get3A_109, %get3A_110] {strides = array<i32>} : memref<40x16xf32, #tpu.memory_space<vmem>>, vector<16xf32>,
    %get3A_112 = arith.constant 27 : i32
    %get3A_113 = arith.index_cast %get3A_112 : i32 to index
    %get3A_114 = arith.constant 0 : index
    %get3A_115 = tpu.vector_load %arg7[%get3A_113, %get3A_114] {strides = array<i32>} : memref<40x16xf32, #tpu.memory_space<vmem>>, vector<16xf32>,
    %get3A_116 = arith.constant 28 : i32
    %get3A_117 = arith.index_cast %get3A_116 : i32 to index
    %get3A_118 = arith.constant 0 : index
    %get3A_119 = tpu.vector_load %arg7[%get3A_117, %get3A_118] {strides = array<i32>} : memref<40x16xf32, #tpu.memory_space<vmem>>, vector<16xf32>,
    %get3A_120 = arith.constant 29 : i32
    %get3A_121 = arith.index_cast %get3A_120 : i32 to index
    %get3A_122 = arith.constant 0 : index
    %get3A_123 = tpu.vector_load %arg7[%get3A_121, %get3A_122] {strides = array<i32>} : memref<40x16xf32, #tpu.memory_space<vmem>>, vector<16xf32>,
    %get3A_124 = arith.constant 30 : i32
    %get3A_125 = arith.index_cast %get3A_124 : i32 to index
    %get3A_126 = arith.constant 0 : index
    %get3A_127 = tpu.vector_load %arg7[%get3A_125, %get3A_126] {strides = array<i32>} : memref<40x16xf32, #tpu.memory_space<vmem>>, vector<16xf32>,
    %get3A_128 = arith.constant 31 : i32
    %get3A_129 = arith.index_cast %get3A_128 : i32 to index
    %get3A_130 = arith.constant 0 : index
    %get3A_131 = tpu.vector_load %arg7[%get3A_129, %get3A_130] {strides = array<i32>} : memref<40x16xf32, #tpu.memory_space<vmem>>, vector<16xf32>,
    %get3A_132 = arith.constant 32 : i32
    %get3A_133 = arith.index_cast %get3A_132 : i32 to index
    %get3A_134 = arith.constant 0 : index
    %get3A_135 = tpu.vector_load %arg7[%get3A_133, %get3A_134] {strides = array<i32>} : memref<40x16xf32, #tpu.memory_space<vmem>>, vector<16xf32>,
    %get3A_136 = arith.constant 33 : i32
    %get3A_137 = arith.index_cast %get3A_136 : i32 to index
    %get3A_138 = arith.constant 0 : index
    %get3A_139 = tpu.vector_load %arg7[%get3A_137, %get3A_138] {strides = array<i32>} : memref<40x16xf32, #tpu.memory_space<vmem>>, vector<16xf32>,
    %get3A_140 = arith.constant 34 : i32
    %get3A_141 = arith.index_cast %get3A_140 : i32 to index
    %get3A_142 = arith.constant 0 : index
    %get3A_143 = tpu.vector_load %arg7[%get3A_141, %get3A_142] {strides = array<i32>} : memref<40x16xf32, #tpu.memory_space<vmem>>, vector<16xf32>,
    %get3A_144 = arith.constant 35 : i32
    %get3A_145 = arith.index_cast %get3A_144 : i32 to index
    %get3A_146 = arith.constant 0 : index
    %get3A_147 = tpu.vector_load %arg7[%get3A_145, %get3A_146] {strides = array<i32>} : memref<40x16xf32, #tpu.memory_space<vmem>>, vector<16xf32>,
    %get3A_148 = arith.constant 36 : i32
    %get3A_149 = arith.index_cast %get3A_148 : i32 to index
    %get3A_150 = arith.constant 0 : index
    %get3A_151 = tpu.vector_load %arg7[%get3A_149, %get3A_150] {strides = array<i32>} : memref<40x16xf32, #tpu.memory_space<vmem>>, vector<16xf32>,
    %get3A_152 = arith.constant 37 : i32
    %get3A_153 = arith.index_cast %get3A_152 : i32 to index
    %get3A_154 = arith.constant 0 : index
    %get3A_155 = tpu.vector_load %arg7[%get3A_153, %get3A_154] {strides = array<i32>} : memref<40x16xf32, #tpu.memory_space<vmem>>, vector<16xf32>,
    %get3A_156 = arith.constant 38 : i32
    %get3A_157 = arith.index_cast %get3A_156 : i32 to index
    %get3A_158 = arith.constant 0 : index
    %get3A_159 = tpu.vector_load %arg7[%get3A_157, %get3A_158] {strides = array<i32>} : memref<40x16xf32, #tpu.memory_space<vmem>>, vector<16xf32>,
    %get3A_160 = arith.constant 39 : i32
    %get3A_161 = arith.index_cast %get3A_160 : i32 to index
    %get3A_162 = arith.constant 0 : index
    %get3A_163 = tpu.vector_load %arg7[%get3A_161, %get3A_162] {strides = array<i32>} : memref<40x16xf32, #tpu.memory_space<vmem>>, vector<16xf32>,
    %scan3A = arith.constant 0 : i32
    %scan3A_164 = arith.constant 0 : i32
    %scan3A_165 = arith.constant 32 : i32
    %scan3A_166 = arith.addi %scan3A_164, %scan3A_165 : i32
    %scan3A_167 = arith.constant 1 : i32
    scf.for %scan3A_185 = %scan3A_164 to %scan3A_166 step %scan3A_167  : i32 {
      %mul3A_186 = arith.constant 16 : i32
      %mul3A_187 = arith.muli %scan3A_185, %mul3A_186 : i32
      %get3A_188 = arith.index_cast %mul3A_187 : i32 to index
      %get3A_189 = tpu.vector_load %arg6[%get3A_188] {strides = array<i32>} : memref<512xi32, #tpu.memory_space<vmem>>, vector<16xi32>,
      %lt3A = arith.constant 0 : i32
      %lt3A_190 = vector.broadcast %lt3A : i32 to vector<16xi32>
      %lt3A_191 = arith.cmpi slt, %get3A_189, %lt3A_190 : vector<16xi32>
      %add3A_192 = arith.constant 16 : i32
      %add3A_193 = vector.broadcast %add3A_192 : i32 to vector<16xi32>
      %add3A_194 = arith.addi %get3A_189, %add3A_193 : vector<16xi32>
      %select_n3A = arith.select %lt3A_191, %add3A_194, %get3A_189 : vector<16xi1>, vector<16xi32>
      %reshape3A = vector.shape_cast %select_n3A : vector<16xi32> to vector<16x1xi32>
      %gather3A = vector.shape_cast %reshape3A : vector<16x1xi32> to vector<16xi32>
      %gather3A_195 = tpu.dynamic_gather %get3A_7[%gather3A] in [0] : vector<16xf32>, vector<16xi32> -> vector<16xf32>
      %mul3A_196 = arith.constant 16 : i32
      %mul3A_197 = arith.muli %scan3A_185, %mul3A_196 : i32
      %swap3A = arith.constant 0 : i32
      %swap3A_198 = arith.index_cast %swap3A : i32 to index
      %swap3A_199 = arith.index_cast %mul3A_197 : i32 to index
      %swap3A_200 = tpu.vector_load %arg8[%swap3A_198, %swap3A_199] {strides = array<i32>} : memref<20x512xf32, #tpu.memory_space<vmem>>, vector<16xf32>,
      tpu.vector_store %arg8[%swap3A_198, %swap3A_199], %gather3A_195 {strides = array<i32>} : memref<20x512xf32, #tpu.memory_space<vmem>>, vector<16xf32>,
      %lt3A_201 = arith.constant 0 : i32
      %lt3A_202 = vector.broadcast %lt3A_201 : i32 to vector<16xi32>
      %lt3A_203 = arith.cmpi slt, %get3A_189, %lt3A_202 : vector<16xi32>
      %add3A_204 = arith.constant 16 : i32
      %add3A_205 = vector.broadcast %add3A_204 : i32 to vector<16xi32>
      %add3A_206 = arith.addi %get3A_189, %add3A_205 : vector<16xi32>
      %select_n3A_207 = arith.select %lt3A_203, %add3A_206, %get3A_189 : vector<16xi1>, vector<16xi32>
      %reshape3A_208 = vector.shape_cast %select_n3A_207 : vector<16xi32> to vector<16x1xi32>
      %gather3A_209 = vector.shape_cast %reshape3A_208 : vector<16x1xi32> to vector<16xi32>
      %gather3A_210 = tpu.dynamic_gather %get3A_87[%gather3A_209] in [0] : vector<16xf32>, vector<16xi32> -> vector<16xf32>
      %mul3A_211 = arith.constant 16 : i32
      %mul3A_212 = arith.muli %scan3A_185, %mul3A_211 : i32
      %swap3A_213 = arith.constant 0 : i32
      %swap3A_214 = arith.index_cast %swap3A_213 : i32 to index
      %swap3A_215 = arith.index_cast %mul3A_212 : i32 to index
      %swap3A_216 = tpu.vector_load %arg9[%swap3A_214, %swap3A_215] {strides = array<i32>} : memref<20x512xf32, #tpu.memory_space<vmem>>, vector<16xf32>,
      tpu.vector_store %arg9[%swap3A_214, %swap3A_215], %gather3A_210 {strides = array<i32>} : memref<20x512xf32, #tpu.memory_space<vmem>>, vector<16xf32>,
      %lt3A_217 = arith.constant 0 : i32
      %lt3A_218 = vector.broadcast %lt3A_217 : i32 to vector<16xi32>
      %lt3A_219 = arith.cmpi slt, %get3A_189, %lt3A_218 : vector<16xi32>
      %add3A_220 = arith.constant 16 : i32
      %add3A_221 = vector.broadcast %add3A_220 : i32 to vector<16xi32>
      %add3A_222 = arith.addi %get3A_189, %add3A_221 : vector<16xi32>
      %select_n3A_223 = arith.select %lt3A_219, %add3A_222, %get3A_189 : vector<16xi1>, vector<16xi32>
      %reshape3A_224 = vector.shape_cast %select_n3A_223 : vector<16xi32> to vector<16x1xi32>
      %gather3A_225 = vector.shape_cast %reshape3A_224 : vector<16x1xi32> to vector<16xi32>
      %gather3A_226 = tpu.dynamic_gather %get3A_11[%gather3A_225] in [0] : vector<16xf32>, vector<16xi32> -> vector<16xf32>
      %mul3A_227 = arith.constant 16 : i32
      %mul3A_228 = arith.muli %scan3A_185, %mul3A_227 : i32
      %swap3A_229 = arith.constant 1 : i32
      %swap3A_230 = arith.index_cast %swap3A_229 : i32 to index
      %swap3A_231 = arith.index_cast %mul3A_228 : i32 to index
      %swap3A_232 = tpu.vector_load %arg8[%swap3A_230, %swap3A_231] {strides = array<i32>} : memref<20x512xf32, #tpu.memory_space<vmem>>, vector<16xf32>,
      tpu.vector_store %arg8[%swap3A_230, %swap3A_231], %gather3A_226 {strides = array<i32>} : memref<20x512xf32, #tpu.memory_space<vmem>>, vector<16xf32>,
      %lt3A_233 = arith.constant 0 : i32
      %lt3A_234 = vector.broadcast %lt3A_233 : i32 to vector<16xi32>
      %lt3A_235 = arith.cmpi slt, %get3A_189, %lt3A_234 : vector<16xi32>
      %add3A_236 = arith.constant 16 : i32
      %add3A_237 = vector.broadcast %add3A_236 : i32 to vector<16xi32>
      %add3A_238 = arith.addi %get3A_189, %add3A_237 : vector<16xi32>
      %select_n3A_239 = arith.select %lt3A_235, %add3A_238, %get3A_189 : vector<16xi1>, vector<16xi32>
      %reshape3A_240 = vector.shape_cast %select_n3A_239 : vector<16xi32> to vector<16x1xi32>
      %gather3A_241 = vector.shape_cast %reshape3A_240 : vector<16x1xi32> to vector<16xi32>
      %gather3A_242 = tpu.dynamic_gather %get3A_91[%gather3A_241] in [0] : vector<16xf32>, vector<16xi32> -> vector<16xf32>
      %mul3A_243 = arith.constant 16 : i32
      %mul3A_244 = arith.muli %scan3A_185, %mul3A_243 : i32
      %swap3A_245 = arith.constant 1 : i32
      %swap3A_246 = arith.index_cast %swap3A_245 : i32 to index
      %swap3A_247 = arith.index_cast %mul3A_244 : i32 to index
      %swap3A_248 = tpu.vector_load %arg9[%swap3A_246, %swap3A_247] {strides = array<i32>} : memref<20x512xf32, #tpu.memory_space<vmem>>, vector<16xf32>,
      tpu.vector_store %arg9[%swap3A_246, %swap3A_247], %gather3A_242 {strides = array<i32>} : memref<20x512xf32, #tpu.memory_space<vmem>>, vector<16xf32>,
      %lt3A_249 = arith.constant 0 : i32
      %lt3A_250 = vector.broadcast %lt3A_249 : i32 to vector<16xi32>
      %lt3A_251 = arith.cmpi slt, %get3A_189, %lt3A_250 : vector<16xi32>
      %add3A_252 = arith.constant 16 : i32
      %add3A_253 = vector.broadcast %add3A_252 : i32 to vector<16xi32>
      %add3A_254 = arith.addi %get3A_189, %add3A_253 : vector<16xi32>
      %select_n3A_255 = arith.select %lt3A_251, %add3A_254, %get3A_189 : vector<16xi1>, vector<16xi32>
      %reshape3A_256 = vector.shape_cast %select_n3A_255 : vector<16xi32> to vector<16x1xi32>
      %gather3A_257 = vector.shape_cast %reshape3A_256 : vector<16x1xi32> to vector<16xi32>
      %gather3A_258 = tpu.dynamic_gather %get3A_15[%gather3A_257] in [0] : vector<16xf32>, vector<16xi32> -> vector<16xf32>
      %mul3A_259 = arith.constant 16 : i32
      %mul3A_260 = arith.muli %scan3A_185, %mul3A_259 : i32
      %swap3A_261 = arith.constant 2 : i32
      %swap3A_262 = arith.index_cast %swap3A_261 : i32 to index
      %swap3A_263 = arith.index_cast %mul3A_260 : i32 to index
      %swap3A_264 = tpu.vector_load %arg8[%swap3A_262, %swap3A_263] {strides = array<i32>} : memref<20x512xf32, #tpu.memory_space<vmem>>, vector<16xf32>,
      tpu.vector_store %arg8[%swap3A_262, %swap3A_263], %gather3A_258 {strides = array<i32>} : memref<20x512xf32, #tpu.memory_space<vmem>>, vector<16xf32>,
      %lt3A_265 = arith.constant 0 : i32
      %lt3A_266 = vector.broadcast %lt3A_265 : i32 to vector<16xi32>
      %lt3A_267 = arith.cmpi slt, %get3A_189, %lt3A_266 : vector<16xi32>
      %add3A_268 = arith.constant 16 : i32
      %add3A_269 = vector.broadcast %add3A_268 : i32 to vector<16xi32>
      %add3A_270 = arith.addi %get3A_189, %add3A_269 : vector<16xi32>
      %select_n3A_271 = arith.select %lt3A_267, %add3A_270, %get3A_189 : vector<16xi1>, vector<16xi32>
      %reshape3A_272 = vector.shape_cast %select_n3A_271 : vector<16xi32> to vector<16x1xi32>
      %gather3A_273 = vector.shape_cast %reshape3A_272 : vector<16x1xi32> to vector<16xi32>
      %gather3A_274 = tpu.dynamic_gather %get3A_95[%gather3A_273] in [0] : vector<16xf32>, vector<16xi32> -> vector<16xf32>
      %mul3A_275 = arith.constant 16 : i32
      %mul3A_276 = arith.muli %scan3A_185, %mul3A_275 : i32
      %swap3A_277 = arith.constant 2 : i32
      %swap3A_278 = arith.index_cast %swap3A_277 : i32 to index
      %swap3A_279 = arith.index_cast %mul3A_276 : i32 to index
      %swap3A_280 = tpu.vector_load %arg9[%swap3A_278, %swap3A_279] {strides = array<i32>} : memref<20x512xf32, #tpu.memory_space<vmem>>, vector<16xf32>,
      tpu.vector_store %arg9[%swap3A_278, %swap3A_279], %gather3A_274 {strides = array<i32>} : memref<20x512xf32, #tpu.memory_space<vmem>>, vector<16xf32>,
      %lt3A_281 = arith.constant 0 : i32
      %lt3A_282 = vector.broadcast %lt3A_281 : i32 to vector<16xi32>
      %lt3A_283 = arith.cmpi slt, %get3A_189, %lt3A_282 : vector<16xi32>
      %add3A_284 = arith.constant 16 : i32
      %add3A_285 = vector.broadcast %add3A_284 : i32 to vector<16xi32>
      %add3A_286 = arith.addi %get3A_189, %add3A_285 : vector<16xi32>
      %select_n3A_287 = arith.select %lt3A_283, %add3A_286, %get3A_189 : vector<16xi1>, vector<16xi32>
      %reshape3A_288 = vector.shape_cast %select_n3A_287 : vector<16xi32> to vector<16x1xi32>
      %gather3A_289 = vector.shape_cast %reshape3A_288 : vector<16x1xi32> to vector<16xi32>
      %gather3A_290 = tpu.dynamic_gather %get3A_19[%gather3A_289] in [0] : vector<16xf32>, vector<16xi32> -> vector<16xf32>
      %mul3A_291 = arith.constant 16 : i32
      %mul3A_292 = arith.muli %scan3A_185, %mul3A_291 : i32
      %swap3A_293 = arith.constant 3 : i32
      %swap3A_294 = arith.index_cast %swap3A_293 : i32 to index
      %swap3A_295 = arith.index_cast %mul3A_292 : i32 to index
      %swap3A_296 = tpu.vector_load %arg8[%swap3A_294, %swap3A_295] {strides = array<i32>} : memref<20x512xf32, #tpu.memory_space<vmem>>, vector<16xf32>,
      tpu.vector_store %arg8[%swap3A_294, %swap3A_295], %gather3A_290 {strides = array<i32>} : memref<20x512xf32, #tpu.memory_space<vmem>>, vector<16xf32>,
      %lt3A_297 = arith.constant 0 : i32
      %lt3A_298 = vector.broadcast %lt3A_297 : i32 to vector<16xi32>
      %lt3A_299 = arith.cmpi slt, %get3A_189, %lt3A_298 : vector<16xi32>
      %add3A_300 = arith.constant 16 : i32
      %add3A_301 = vector.broadcast %add3A_300 : i32 to vector<16xi32>
      %add3A_302 = arith.addi %get3A_189, %add3A_301 : vector<16xi32>
      %select_n3A_303 = arith.select %lt3A_299, %add3A_302, %get3A_189 : vector<16xi1>, vector<16xi32>
      %reshape3A_304 = vector.shape_cast %select_n3A_303 : vector<16xi32> to vector<16x1xi32>
      %gather3A_305 = vector.shape_cast %reshape3A_304 : vector<16x1xi32> to vector<16xi32>
      %gather3A_306 = tpu.dynamic_gather %get3A_99[%gather3A_305] in [0] : vector<16xf32>, vector<16xi32> -> vector<16xf32>
      %mul3A_307 = arith.constant 16 : i32
      %mul3A_308 = arith.muli %scan3A_185, %mul3A_307 : i32
      %swap3A_309 = arith.constant 3 : i32
      %swap3A_310 = arith.index_cast %swap3A_309 : i32 to index
      %swap3A_311 = arith.index_cast %mul3A_308 : i32 to index
      %swap3A_312 = tpu.vector_load %arg9[%swap3A_310, %swap3A_311] {strides = array<i32>} : memref<20x512xf32, #tpu.memory_space<vmem>>, vector<16xf32>,
      tpu.vector_store %arg9[%swap3A_310, %swap3A_311], %gather3A_306 {strides = array<i32>} : memref<20x512xf32, #tpu.memory_space<vmem>>, vector<16xf32>,
      %lt3A_313 = arith.constant 0 : i32
      %lt3A_314 = vector.broadcast %lt3A_313 : i32 to vector<16xi32>
      %lt3A_315 = arith.cmpi slt, %get3A_189, %lt3A_314 : vector<16xi32>
      %add3A_316 = arith.constant 16 : i32
      %add3A_317 = vector.broadcast %add3A_316 : i32 to vector<16xi32>
      %add3A_318 = arith.addi %get3A_189, %add3A_317 : vector<16xi32>
      %select_n3A_319 = arith.select %lt3A_315, %add3A_318, %get3A_189 : vector<16xi1>, vector<16xi32>
      %reshape3A_320 = vector.shape_cast %select_n3A_319 : vector<16xi32> to vector<16x1xi32>
      %gather3A_321 = vector.shape_cast %reshape3A_320 : vector<16x1xi32> to vector<16xi32>
      %gather3A_322 = tpu.dynamic_gather %get3A_23[%gather3A_321] in [0] : vector<16xf32>, vector<16xi32> -> vector<16xf32>
      %mul3A_323 = arith.constant 16 : i32
      %mul3A_324 = arith.muli %scan3A_185, %mul3A_323 : i32
      %swap3A_325 = arith.constant 4 : i32
      %swap3A_326 = arith.index_cast %swap3A_325 : i32 to index
      %swap3A_327 = arith.index_cast %mul3A_324 : i32 to index
      %swap3A_328 = tpu.vector_load %arg8[%swap3A_326, %swap3A_327] {strides = array<i32>} : memref<20x512xf32, #tpu.memory_space<vmem>>, vector<16xf32>,
      tpu.vector_store %arg8[%swap3A_326, %swap3A_327], %gather3A_322 {strides = array<i32>} : memref<20x512xf32, #tpu.memory_space<vmem>>, vector<16xf32>,
      %lt3A_329 = arith.constant 0 : i32
      %lt3A_330 = vector.broadcast %lt3A_329 : i32 to vector<16xi32>
      %lt3A_331 = arith.cmpi slt, %get3A_189, %lt3A_330 : vector<16xi32>
      %add3A_332 = arith.constant 16 : i32
      %add3A_333 = vector.broadcast %add3A_332 : i32 to vector<16xi32>
      %add3A_334 = arith.addi %get3A_189, %add3A_333 : vector<16xi32>
      %select_n3A_335 = arith.select %lt3A_331, %add3A_334, %get3A_189 : vector<16xi1>, vector<16xi32>
      %reshape3A_336 = vector.shape_cast %select_n3A_335 : vector<16xi32> to vector<16x1xi32>
      %gather3A_337 = vector.shape_cast %reshape3A_336 : vector<16x1xi32> to vector<16xi32>
      %gather3A_338 = tpu.dynamic_gather %get3A_103[%gather3A_337] in [0] : vector<16xf32>, vector<16xi32> -> vector<16xf32>
      %mul3A_339 = arith.constant 16 : i32
      %mul3A_340 = arith.muli %scan3A_185, %mul3A_339 : i32
      %swap3A_341 = arith.constant 4 : i32
      %swap3A_342 = arith.index_cast %swap3A_341 : i32 to index
      %swap3A_343 = arith.index_cast %mul3A_340 : i32 to index
      %swap3A_344 = tpu.vector_load %arg9[%swap3A_342, %swap3A_343] {strides = array<i32>} : memref<20x512xf32, #tpu.memory_space<vmem>>, vector<16xf32>,
      tpu.vector_store %arg9[%swap3A_342, %swap3A_343], %gather3A_338 {strides = array<i32>} : memref<20x512xf32, #tpu.memory_space<vmem>>, vector<16xf32>,
      %lt3A_345 = arith.constant 0 : i32
      %lt3A_346 = vector.broadcast %lt3A_345 : i32 to vector<16xi32>
      %lt3A_347 = arith.cmpi slt, %get3A_189, %lt3A_346 : vector<16xi32>
      %add3A_348 = arith.constant 16 : i32
      %add3A_349 = vector.broadcast %add3A_348 : i32 to vector<16xi32>
      %add3A_350 = arith.addi %get3A_189, %add3A_349 : vector<16xi32>
      %select_n3A_351 = arith.select %lt3A_347, %add3A_350, %get3A_189 : vector<16xi1>, vector<16xi32>
      %reshape3A_352 = vector.shape_cast %select_n3A_351 : vector<16xi32> to vector<16x1xi32>
      %gather3A_353 = vector.shape_cast %reshape3A_352 : vector<16x1xi32> to vector<16xi32>
      %gather3A_354 = tpu.dynamic_gather %get3A_27[%gather3A_353] in [0] : vector<16xf32>, vector<16xi32> -> vector<16xf32>
      %mul3A_355 = arith.constant 16 : i32
      %mul3A_356 = arith.muli %scan3A_185, %mul3A_355 : i32
      %swap3A_357 = arith.constant 5 : i32
      %swap3A_358 = arith.index_cast %swap3A_357 : i32 to index
      %swap3A_359 = arith.index_cast %mul3A_356 : i32 to index
      %swap3A_360 = tpu.vector_load %arg8[%swap3A_358, %swap3A_359] {strides = array<i32>} : memref<20x512xf32, #tpu.memory_space<vmem>>, vector<16xf32>,
      tpu.vector_store %arg8[%swap3A_358, %swap3A_359], %gather3A_354 {strides = array<i32>} : memref<20x512xf32, #tpu.memory_space<vmem>>, vector<16xf32>,
      %lt3A_361 = arith.constant 0 : i32
      %lt3A_362 = vector.broadcast %lt3A_361 : i32 to vector<16xi32>
      %lt3A_363 = arith.cmpi slt, %get3A_189, %lt3A_362 : vector<16xi32>
      %add3A_364 = arith.constant 16 : i32
      %add3A_365 = vector.broadcast %add3A_364 : i32 to vector<16xi32>
      %add3A_366 = arith.addi %get3A_189, %add3A_365 : vector<16xi32>
      %select_n3A_367 = arith.select %lt3A_363, %add3A_366, %get3A_189 : vector<16xi1>, vector<16xi32>
      %reshape3A_368 = vector.shape_cast %select_n3A_367 : vector<16xi32> to vector<16x1xi32>
      %gather3A_369 = vector.shape_cast %reshape3A_368 : vector<16x1xi32> to vector<16xi32>
      %gather3A_370 = tpu.dynamic_gather %get3A_107[%gather3A_369] in [0] : vector<16xf32>, vector<16xi32> -> vector<16xf32>
      %mul3A_371 = arith.constant 16 : i32
      %mul3A_372 = arith.muli %scan3A_185, %mul3A_371 : i32
      %swap3A_373 = arith.constant 5 : i32
      %swap3A_374 = arith.index_cast %swap3A_373 : i32 to index
      %swap3A_375 = arith.index_cast %mul3A_372 : i32 to index
      %swap3A_376 = tpu.vector_load %arg9[%swap3A_374, %swap3A_375] {strides = array<i32>} : memref<20x512xf32, #tpu.memory_space<vmem>>, vector<16xf32>,
      tpu.vector_store %arg9[%swap3A_374, %swap3A_375], %gather3A_370 {strides = array<i32>} : memref<20x512xf32, #tpu.memory_space<vmem>>, vector<16xf32>,
      %lt3A_377 = arith.constant 0 : i32
      %lt3A_378 = vector.broadcast %lt3A_377 : i32 to vector<16xi32>
      %lt3A_379 = arith.cmpi slt, %get3A_189, %lt3A_378 : vector<16xi32>
      %add3A_380 = arith.constant 16 : i32
      %add3A_381 = vector.broadcast %add3A_380 : i32 to vector<16xi32>
      %add3A_382 = arith.addi %get3A_189, %add3A_381 : vector<16xi32>
      %select_n3A_383 = arith.select %lt3A_379, %add3A_382, %get3A_189 : vector<16xi1>, vector<16xi32>
      %reshape3A_384 = vector.shape_cast %select_n3A_383 : vector<16xi32> to vector<16x1xi32>
      %gather3A_385 = vector.shape_cast %reshape3A_384 : vector<16x1xi32> to vector<16xi32>
      %gather3A_386 = tpu.dynamic_gather %get3A_31[%gather3A_385] in [0] : vector<16xf32>, vector<16xi32> -> vector<16xf32>
      %mul3A_387 = arith.constant 16 : i32
      %mul3A_388 = arith.muli %scan3A_185, %mul3A_387 : i32
      %swap3A_389 = arith.constant 6 : i32
      %swap3A_390 = arith.index_cast %swap3A_389 : i32 to index
      %swap3A_391 = arith.index_cast %mul3A_388 : i32 to index
      %swap3A_392 = tpu.vector_load %arg8[%swap3A_390, %swap3A_391] {strides = array<i32>} : memref<20x512xf32, #tpu.memory_space<vmem>>, vector<16xf32>,
      tpu.vector_store %arg8[%swap3A_390, %swap3A_391], %gather3A_386 {strides = array<i32>} : memref<20x512xf32, #tpu.memory_space<vmem>>, vector<16xf32>,
      %lt3A_393 = arith.constant 0 : i32
      %lt3A_394 = vector.broadcast %lt3A_393 : i32 to vector<16xi32>
      %lt3A_395 = arith.cmpi slt, %get3A_189, %lt3A_394 : vector<16xi32>
      %add3A_396 = arith.constant 16 : i32
      %add3A_397 = vector.broadcast %add3A_396 : i32 to vector<16xi32>
      %add3A_398 = arith.addi %get3A_189, %add3A_397 : vector<16xi32>
      %select_n3A_399 = arith.select %lt3A_395, %add3A_398, %get3A_189 : vector<16xi1>, vector<16xi32>
      %reshape3A_400 = vector.shape_cast %select_n3A_399 : vector<16xi32> to vector<16x1xi32>
      %gather3A_401 = vector.shape_cast %reshape3A_400 : vector<16x1xi32> to vector<16xi32>
      %gather3A_402 = tpu.dynamic_gather %get3A_111[%gather3A_401] in [0] : vector<16xf32>, vector<16xi32> -> vector<16xf32>
      %mul3A_403 = arith.constant 16 : i32
      %mul3A_404 = arith.muli %scan3A_185, %mul3A_403 : i32
      %swap3A_405 = arith.constant 6 : i32
      %swap3A_406 = arith.index_cast %swap3A_405 : i32 to index
      %swap3A_407 = arith.index_cast %mul3A_404 : i32 to index
      %swap3A_408 = tpu.vector_load %arg9[%swap3A_406, %swap3A_407] {strides = array<i32>} : memref<20x512xf32, #tpu.memory_space<vmem>>, vector<16xf32>,
      tpu.vector_store %arg9[%swap3A_406, %swap3A_407], %gather3A_402 {strides = array<i32>} : memref<20x512xf32, #tpu.memory_space<vmem>>, vector<16xf32>,
      %lt3A_409 = arith.constant 0 : i32
      %lt3A_410 = vector.broadcast %lt3A_409 : i32 to vector<16xi32>
      %lt3A_411 = arith.cmpi slt, %get3A_189, %lt3A_410 : vector<16xi32>
      %add3A_412 = arith.constant 16 : i32
      %add3A_413 = vector.broadcast %add3A_412 : i32 to vector<16xi32>
      %add3A_414 = arith.addi %get3A_189, %add3A_413 : vector<16xi32>
      %select_n3A_415 = arith.select %lt3A_411, %add3A_414, %get3A_189 : vector<16xi1>, vector<16xi32>
      %reshape3A_416 = vector.shape_cast %select_n3A_415 : vector<16xi32> to vector<16x1xi32>
      %gather3A_417 = vector.shape_cast %reshape3A_416 : vector<16x1xi32> to vector<16xi32>
      %gather3A_418 = tpu.dynamic_gather %get3A_35[%gather3A_417] in [0] : vector<16xf32>, vector<16xi32> -> vector<16xf32>
      %mul3A_419 = arith.constant 16 : i32
      %mul3A_420 = arith.muli %scan3A_185, %mul3A_419 : i32
      %swap3A_421 = arith.constant 7 : i32
      %swap3A_422 = arith.index_cast %swap3A_421 : i32 to index
      %swap3A_423 = arith.index_cast %mul3A_420 : i32 to index
      %swap3A_424 = tpu.vector_load %arg8[%swap3A_422, %swap3A_423] {strides = array<i32>} : memref<20x512xf32, #tpu.memory_space<vmem>>, vector<16xf32>,
      tpu.vector_store %arg8[%swap3A_422, %swap3A_423], %gather3A_418 {strides = array<i32>} : memref<20x512xf32, #tpu.memory_space<vmem>>, vector<16xf32>,
      %lt3A_425 = arith.constant 0 : i32
      %lt3A_426 = vector.broadcast %lt3A_425 : i32 to vector<16xi32>
      %lt3A_427 = arith.cmpi slt, %get3A_189, %lt3A_426 : vector<16xi32>
      %add3A_428 = arith.constant 16 : i32
      %add3A_429 = vector.broadcast %add3A_428 : i32 to vector<16xi32>
      %add3A_430 = arith.addi %get3A_189, %add3A_429 : vector<16xi32>
      %select_n3A_431 = arith.select %lt3A_427, %add3A_430, %get3A_189 : vector<16xi1>, vector<16xi32>
      %reshape3A_432 = vector.shape_cast %select_n3A_431 : vector<16xi32> to vector<16x1xi32>
      %gather3A_433 = vector.shape_cast %reshape3A_432 : vector<16x1xi32> to vector<16xi32>
      %gather3A_434 = tpu.dynamic_gather %get3A_115[%gather3A_433] in [0] : vector<16xf32>, vector<16xi32> -> vector<16xf32>
      %mul3A_435 = arith.constant 16 : i32
      %mul3A_436 = arith.muli %scan3A_185, %mul3A_435 : i32
      %swap3A_437 = arith.constant 7 : i32
      %swap3A_438 = arith.index_cast %swap3A_437 : i32 to index
      %swap3A_439 = arith.index_cast %mul3A_436 : i32 to index
      %swap3A_440 = tpu.vector_load %arg9[%swap3A_438, %swap3A_439] {strides = array<i32>} : memref<20x512xf32, #tpu.memory_space<vmem>>, vector<16xf32>,
      tpu.vector_store %arg9[%swap3A_438, %swap3A_439], %gather3A_434 {strides = array<i32>} : memref<20x512xf32, #tpu.memory_space<vmem>>, vector<16xf32>,
      %lt3A_441 = arith.constant 0 : i32
      %lt3A_442 = vector.broadcast %lt3A_441 : i32 to vector<16xi32>
      %lt3A_443 = arith.cmpi slt, %get3A_189, %lt3A_442 : vector<16xi32>
      %add3A_444 = arith.constant 16 : i32
      %add3A_445 = vector.broadcast %add3A_444 : i32 to vector<16xi32>
      %add3A_446 = arith.addi %get3A_189, %add3A_445 : vector<16xi32>
      %select_n3A_447 = arith.select %lt3A_443, %add3A_446, %get3A_189 : vector<16xi1>, vector<16xi32>
      %reshape3A_448 = vector.shape_cast %select_n3A_447 : vector<16xi32> to vector<16x1xi32>
      %gather3A_449 = vector.shape_cast %reshape3A_448 : vector<16x1xi32> to vector<16xi32>
      %gather3A_450 = tpu.dynamic_gather %get3A_39[%gather3A_449] in [0] : vector<16xf32>, vector<16xi32> -> vector<16xf32>
      %mul3A_451 = arith.constant 16 : i32
      %mul3A_452 = arith.muli %scan3A_185, %mul3A_451 : i32
      %swap3A_453 = arith.constant 8 : i32
      %swap3A_454 = arith.index_cast %swap3A_453 : i32 to index
      %swap3A_455 = arith.index_cast %mul3A_452 : i32 to index
      %swap3A_456 = tpu.vector_load %arg8[%swap3A_454, %swap3A_455] {strides = array<i32>} : memref<20x512xf32, #tpu.memory_space<vmem>>, vector<16xf32>,
      tpu.vector_store %arg8[%swap3A_454, %swap3A_455], %gather3A_450 {strides = array<i32>} : memref<20x512xf32, #tpu.memory_space<vmem>>, vector<16xf32>,
      %lt3A_457 = arith.constant 0 : i32
      %lt3A_458 = vector.broadcast %lt3A_457 : i32 to vector<16xi32>
      %lt3A_459 = arith.cmpi slt, %get3A_189, %lt3A_458 : vector<16xi32>
      %add3A_460 = arith.constant 16 : i32
      %add3A_461 = vector.broadcast %add3A_460 : i32 to vector<16xi32>
      %add3A_462 = arith.addi %get3A_189, %add3A_461 : vector<16xi32>
      %select_n3A_463 = arith.select %lt3A_459, %add3A_462, %get3A_189 : vector<16xi1>, vector<16xi32>
      %reshape3A_464 = vector.shape_cast %select_n3A_463 : vector<16xi32> to vector<16x1xi32>
      %gather3A_465 = vector.shape_cast %reshape3A_464 : vector<16x1xi32> to vector<16xi32>
      %gather3A_466 = tpu.dynamic_gather %get3A_119[%gather3A_465] in [0] : vector<16xf32>, vector<16xi32> -> vector<16xf32>
      %mul3A_467 = arith.constant 16 : i32
      %mul3A_468 = arith.muli %scan3A_185, %mul3A_467 : i32
      %swap3A_469 = arith.constant 8 : i32
      %swap3A_470 = arith.index_cast %swap3A_469 : i32 to index
      %swap3A_471 = arith.index_cast %mul3A_468 : i32 to index
      %swap3A_472 = tpu.vector_load %arg9[%swap3A_470, %swap3A_471] {strides = array<i32>} : memref<20x512xf32, #tpu.memory_space<vmem>>, vector<16xf32>,
      tpu.vector_store %arg9[%swap3A_470, %swap3A_471], %gather3A_466 {strides = array<i32>} : memref<20x512xf32, #tpu.memory_space<vmem>>, vector<16xf32>,
      %lt3A_473 = arith.constant 0 : i32
      %lt3A_474 = vector.broadcast %lt3A_473 : i32 to vector<16xi32>
      %lt3A_475 = arith.cmpi slt, %get3A_189, %lt3A_474 : vector<16xi32>
      %add3A_476 = arith.constant 16 : i32
      %add3A_477 = vector.broadcast %add3A_476 : i32 to vector<16xi32>
      %add3A_478 = arith.addi %get3A_189, %add3A_477 : vector<16xi32>
      %select_n3A_479 = arith.select %lt3A_475, %add3A_478, %get3A_189 : vector<16xi1>, vector<16xi32>
      %reshape3A_480 = vector.shape_cast %select_n3A_479 : vector<16xi32> to vector<16x1xi32>
      %gather3A_481 = vector.shape_cast %reshape3A_480 : vector<16x1xi32> to vector<16xi32>
      %gather3A_482 = tpu.dynamic_gather %get3A_43[%gather3A_481] in [0] : vector<16xf32>, vector<16xi32> -> vector<16xf32>
      %mul3A_483 = arith.constant 16 : i32
      %mul3A_484 = arith.muli %scan3A_185, %mul3A_483 : i32
      %swap3A_485 = arith.constant 9 : i32
      %swap3A_486 = arith.index_cast %swap3A_485 : i32 to index
      %swap3A_487 = arith.index_cast %mul3A_484 : i32 to index
      %swap3A_488 = tpu.vector_load %arg8[%swap3A_486, %swap3A_487] {strides = array<i32>} : memref<20x512xf32, #tpu.memory_space<vmem>>, vector<16xf32>,
      tpu.vector_store %arg8[%swap3A_486, %swap3A_487], %gather3A_482 {strides = array<i32>} : memref<20x512xf32, #tpu.memory_space<vmem>>, vector<16xf32>,
      %lt3A_489 = arith.constant 0 : i32
      %lt3A_490 = vector.broadcast %lt3A_489 : i32 to vector<16xi32>
      %lt3A_491 = arith.cmpi slt, %get3A_189, %lt3A_490 : vector<16xi32>
      %add3A_492 = arith.constant 16 : i32
      %add3A_493 = vector.broadcast %add3A_492 : i32 to vector<16xi32>
      %add3A_494 = arith.addi %get3A_189, %add3A_493 : vector<16xi32>
      %select_n3A_495 = arith.select %lt3A_491, %add3A_494, %get3A_189 : vector<16xi1>, vector<16xi32>
      %reshape3A_496 = vector.shape_cast %select_n3A_495 : vector<16xi32> to vector<16x1xi32>
      %gather3A_497 = vector.shape_cast %reshape3A_496 : vector<16x1xi32> to vector<16xi32>
      %gather3A_498 = tpu.dynamic_gather %get3A_123[%gather3A_497] in [0] : vector<16xf32>, vector<16xi32> -> vector<16xf32>
      %mul3A_499 = arith.constant 16 : i32
      %mul3A_500 = arith.muli %scan3A_185, %mul3A_499 : i32
      %swap3A_501 = arith.constant 9 : i32
      %swap3A_502 = arith.index_cast %swap3A_501 : i32 to index
      %swap3A_503 = arith.index_cast %mul3A_500 : i32 to index
      %swap3A_504 = tpu.vector_load %arg9[%swap3A_502, %swap3A_503] {strides = array<i32>} : memref<20x512xf32, #tpu.memory_space<vmem>>, vector<16xf32>,
      tpu.vector_store %arg9[%swap3A_502, %swap3A_503], %gather3A_498 {strides = array<i32>} : memref<20x512xf32, #tpu.memory_space<vmem>>, vector<16xf32>,
      %lt3A_505 = arith.constant 0 : i32
      %lt3A_506 = vector.broadcast %lt3A_505 : i32 to vector<16xi32>
      %lt3A_507 = arith.cmpi slt, %get3A_189, %lt3A_506 : vector<16xi32>
      %add3A_508 = arith.constant 16 : i32
      %add3A_509 = vector.broadcast %add3A_508 : i32 to vector<16xi32>
      %add3A_510 = arith.addi %get3A_189, %add3A_509 : vector<16xi32>
      %select_n3A_511 = arith.select %lt3A_507, %add3A_510, %get3A_189 : vector<16xi1>, vector<16xi32>
      %reshape3A_512 = vector.shape_cast %select_n3A_511 : vector<16xi32> to vector<16x1xi32>
      %gather3A_513 = vector.shape_cast %reshape3A_512 : vector<16x1xi32> to vector<16xi32>
      %gather3A_514 = tpu.dynamic_gather %get3A_47[%gather3A_513] in [0] : vector<16xf32>, vector<16xi32> -> vector<16xf32>
      %mul3A_515 = arith.constant 16 : i32
      %mul3A_516 = arith.muli %scan3A_185, %mul3A_515 : i32
      %swap3A_517 = arith.constant 10 : i32
      %swap3A_518 = arith.index_cast %swap3A_517 : i32 to index
      %swap3A_519 = arith.index_cast %mul3A_516 : i32 to index
      %swap3A_520 = tpu.vector_load %arg8[%swap3A_518, %swap3A_519] {strides = array<i32>} : memref<20x512xf32, #tpu.memory_space<vmem>>, vector<16xf32>,
      tpu.vector_store %arg8[%swap3A_518, %swap3A_519], %gather3A_514 {strides = array<i32>} : memref<20x512xf32, #tpu.memory_space<vmem>>, vector<16xf32>,
      %lt3A_521 = arith.constant 0 : i32
      %lt3A_522 = vector.broadcast %lt3A_521 : i32 to vector<16xi32>
      %lt3A_523 = arith.cmpi slt, %get3A_189, %lt3A_522 : vector<16xi32>
      %add3A_524 = arith.constant 16 : i32
      %add3A_525 = vector.broadcast %add3A_524 : i32 to vector<16xi32>
      %add3A_526 = arith.addi %get3A_189, %add3A_525 : vector<16xi32>
      %select_n3A_527 = arith.select %lt3A_523, %add3A_526, %get3A_189 : vector<16xi1>, vector<16xi32>
      %reshape3A_528 = vector.shape_cast %select_n3A_527 : vector<16xi32> to vector<16x1xi32>
      %gather3A_529 = vector.shape_cast %reshape3A_528 : vector<16x1xi32> to vector<16xi32>
      %gather3A_530 = tpu.dynamic_gather %get3A_127[%gather3A_529] in [0] : vector<16xf32>, vector<16xi32> -> vector<16xf32>
      %mul3A_531 = arith.constant 16 : i32
      %mul3A_532 = arith.muli %scan3A_185, %mul3A_531 : i32
      %swap3A_533 = arith.constant 10 : i32
      %swap3A_534 = arith.index_cast %swap3A_533 : i32 to index
      %swap3A_535 = arith.index_cast %mul3A_532 : i32 to index
      %swap3A_536 = tpu.vector_load %arg9[%swap3A_534, %swap3A_535] {strides = array<i32>} : memref<20x512xf32, #tpu.memory_space<vmem>>, vector<16xf32>,
      tpu.vector_store %arg9[%swap3A_534, %swap3A_535], %gather3A_530 {strides = array<i32>} : memref<20x512xf32, #tpu.memory_space<vmem>>, vector<16xf32>,
      %lt3A_537 = arith.constant 0 : i32
      %lt3A_538 = vector.broadcast %lt3A_537 : i32 to vector<16xi32>
      %lt3A_539 = arith.cmpi slt, %get3A_189, %lt3A_538 : vector<16xi32>
      %add3A_540 = arith.constant 16 : i32
      %add3A_541 = vector.broadcast %add3A_540 : i32 to vector<16xi32>
      %add3A_542 = arith.addi %get3A_189, %add3A_541 : vector<16xi32>
      %select_n3A_543 = arith.select %lt3A_539, %add3A_542, %get3A_189 : vector<16xi1>, vector<16xi32>
      %reshape3A_544 = vector.shape_cast %select_n3A_543 : vector<16xi32> to vector<16x1xi32>
      %gather3A_545 = vector.shape_cast %reshape3A_544 : vector<16x1xi32> to vector<16xi32>
      %gather3A_546 = tpu.dynamic_gather %get3A_51[%gather3A_545] in [0] : vector<16xf32>, vector<16xi32> -> vector<16xf32>
      %mul3A_547 = arith.constant 16 : i32
      %mul3A_548 = arith.muli %scan3A_185, %mul3A_547 : i32
      %swap3A_549 = arith.constant 11 : i32
      %swap3A_550 = arith.index_cast %swap3A_549 : i32 to index
      %swap3A_551 = arith.index_cast %mul3A_548 : i32 to index
      %swap3A_552 = tpu.vector_load %arg8[%swap3A_550, %swap3A_551] {strides = array<i32>} : memref<20x512xf32, #tpu.memory_space<vmem>>, vector<16xf32>,
      tpu.vector_store %arg8[%swap3A_550, %swap3A_551], %gather3A_546 {strides = array<i32>} : memref<20x512xf32, #tpu.memory_space<vmem>>, vector<16xf32>,
      %lt3A_553 = arith.constant 0 : i32
      %lt3A_554 = vector.broadcast %lt3A_553 : i32 to vector<16xi32>
      %lt3A_555 = arith.cmpi slt, %get3A_189, %lt3A_554 : vector<16xi32>
      %add3A_556 = arith.constant 16 : i32
      %add3A_557 = vector.broadcast %add3A_556 : i32 to vector<16xi32>
      %add3A_558 = arith.addi %get3A_189, %add3A_557 : vector<16xi32>
      %select_n3A_559 = arith.select %lt3A_555, %add3A_558, %get3A_189 : vector<16xi1>, vector<16xi32>
      %reshape3A_560 = vector.shape_cast %select_n3A_559 : vector<16xi32> to vector<16x1xi32>
      %gather3A_561 = vector.shape_cast %reshape3A_560 : vector<16x1xi32> to vector<16xi32>
      %gather3A_562 = tpu.dynamic_gather %get3A_131[%gather3A_561] in [0] : vector<16xf32>, vector<16xi32> -> vector<16xf32>
      %mul3A_563 = arith.constant 16 : i32
      %mul3A_564 = arith.muli %scan3A_185, %mul3A_563 : i32
      %swap3A_565 = arith.constant 11 : i32
      %swap3A_566 = arith.index_cast %swap3A_565 : i32 to index
      %swap3A_567 = arith.index_cast %mul3A_564 : i32 to index
      %swap3A_568 = tpu.vector_load %arg9[%swap3A_566, %swap3A_567] {strides = array<i32>} : memref<20x512xf32, #tpu.memory_space<vmem>>, vector<16xf32>,
      tpu.vector_store %arg9[%swap3A_566, %swap3A_567], %gather3A_562 {strides = array<i32>} : memref<20x512xf32, #tpu.memory_space<vmem>>, vector<16xf32>,
      %lt3A_569 = arith.constant 0 : i32
      %lt3A_570 = vector.broadcast %lt3A_569 : i32 to vector<16xi32>
      %lt3A_571 = arith.cmpi slt, %get3A_189, %lt3A_570 : vector<16xi32>
      %add3A_572 = arith.constant 16 : i32
      %add3A_573 = vector.broadcast %add3A_572 : i32 to vector<16xi32>
      %add3A_574 = arith.addi %get3A_189, %add3A_573 : vector<16xi32>
      %select_n3A_575 = arith.select %lt3A_571, %add3A_574, %get3A_189 : vector<16xi1>, vector<16xi32>
      %reshape3A_576 = vector.shape_cast %select_n3A_575 : vector<16xi32> to vector<16x1xi32>
      %gather3A_577 = vector.shape_cast %reshape3A_576 : vector<16x1xi32> to vector<16xi32>
      %gather3A_578 = tpu.dynamic_gather %get3A_55[%gather3A_577] in [0] : vector<16xf32>, vector<16xi32> -> vector<16xf32>
      %mul3A_579 = arith.constant 16 : i32
      %mul3A_580 = arith.muli %scan3A_185, %mul3A_579 : i32
      %swap3A_581 = arith.constant 12 : i32
      %swap3A_582 = arith.index_cast %swap3A_581 : i32 to index
      %swap3A_583 = arith.index_cast %mul3A_580 : i32 to index
      %swap3A_584 = tpu.vector_load %arg8[%swap3A_582, %swap3A_583] {strides = array<i32>} : memref<20x512xf32, #tpu.memory_space<vmem>>, vector<16xf32>,
      tpu.vector_store %arg8[%swap3A_582, %swap3A_583], %gather3A_578 {strides = array<i32>} : memref<20x512xf32, #tpu.memory_space<vmem>>, vector<16xf32>,
      %lt3A_585 = arith.constant 0 : i32
      %lt3A_586 = vector.broadcast %lt3A_585 : i32 to vector<16xi32>
      %lt3A_587 = arith.cmpi slt, %get3A_189, %lt3A_586 : vector<16xi32>
      %add3A_588 = arith.constant 16 : i32
      %add3A_589 = vector.broadcast %add3A_588 : i32 to vector<16xi32>
      %add3A_590 = arith.addi %get3A_189, %add3A_589 : vector<16xi32>
      %select_n3A_591 = arith.select %lt3A_587, %add3A_590, %get3A_189 : vector<16xi1>, vector<16xi32>
      %reshape3A_592 = vector.shape_cast %select_n3A_591 : vector<16xi32> to vector<16x1xi32>
      %gather3A_593 = vector.shape_cast %reshape3A_592 : vector<16x1xi32> to vector<16xi32>
      %gather3A_594 = tpu.dynamic_gather %get3A_135[%gather3A_593] in [0] : vector<16xf32>, vector<16xi32> -> vector<16xf32>
      %mul3A_595 = arith.constant 16 : i32
      %mul3A_596 = arith.muli %scan3A_185, %mul3A_595 : i32
      %swap3A_597 = arith.constant 12 : i32
      %swap3A_598 = arith.index_cast %swap3A_597 : i32 to index
      %swap3A_599 = arith.index_cast %mul3A_596 : i32 to index
      %swap3A_600 = tpu.vector_load %arg9[%swap3A_598, %swap3A_599] {strides = array<i32>} : memref<20x512xf32, #tpu.memory_space<vmem>>, vector<16xf32>,
      tpu.vector_store %arg9[%swap3A_598, %swap3A_599], %gather3A_594 {strides = array<i32>} : memref<20x512xf32, #tpu.memory_space<vmem>>, vector<16xf32>,
      %lt3A_601 = arith.constant 0 : i32
      %lt3A_602 = vector.broadcast %lt3A_601 : i32 to vector<16xi32>
      %lt3A_603 = arith.cmpi slt, %get3A_189, %lt3A_602 : vector<16xi32>
      %add3A_604 = arith.constant 16 : i32
      %add3A_605 = vector.broadcast %add3A_604 : i32 to vector<16xi32>
      %add3A_606 = arith.addi %get3A_189, %add3A_605 : vector<16xi32>
      %select_n3A_607 = arith.select %lt3A_603, %add3A_606, %get3A_189 : vector<16xi1>, vector<16xi32>
      %reshape3A_608 = vector.shape_cast %select_n3A_607 : vector<16xi32> to vector<16x1xi32>
      %gather3A_609 = vector.shape_cast %reshape3A_608 : vector<16x1xi32> to vector<16xi32>
      %gather3A_610 = tpu.dynamic_gather %get3A_59[%gather3A_609] in [0] : vector<16xf32>, vector<16xi32> -> vector<16xf32>
      %mul3A_611 = arith.constant 16 : i32
      %mul3A_612 = arith.muli %scan3A_185, %mul3A_611 : i32
      %swap3A_613 = arith.constant 13 : i32
      %swap3A_614 = arith.index_cast %swap3A_613 : i32 to index
      %swap3A_615 = arith.index_cast %mul3A_612 : i32 to index
      %swap3A_616 = tpu.vector_load %arg8[%swap3A_614, %swap3A_615] {strides = array<i32>} : memref<20x512xf32, #tpu.memory_space<vmem>>, vector<16xf32>,
      tpu.vector_store %arg8[%swap3A_614, %swap3A_615], %gather3A_610 {strides = array<i32>} : memref<20x512xf32, #tpu.memory_space<vmem>>, vector<16xf32>,
      %lt3A_617 = arith.constant 0 : i32
      %lt3A_618 = vector.broadcast %lt3A_617 : i32 to vector<16xi32>
      %lt3A_619 = arith.cmpi slt, %get3A_189, %lt3A_618 : vector<16xi32>
      %add3A_620 = arith.constant 16 : i32
      %add3A_621 = vector.broadcast %add3A_620 : i32 to vector<16xi32>
      %add3A_622 = arith.addi %get3A_189, %add3A_621 : vector<16xi32>
      %select_n3A_623 = arith.select %lt3A_619, %add3A_622, %get3A_189 : vector<16xi1>, vector<16xi32>
      %reshape3A_624 = vector.shape_cast %select_n3A_623 : vector<16xi32> to vector<16x1xi32>
      %gather3A_625 = vector.shape_cast %reshape3A_624 : vector<16x1xi32> to vector<16xi32>
      %gather3A_626 = tpu.dynamic_gather %get3A_139[%gather3A_625] in [0] : vector<16xf32>, vector<16xi32> -> vector<16xf32>
      %mul3A_627 = arith.constant 16 : i32
      %mul3A_628 = arith.muli %scan3A_185, %mul3A_627 : i32
      %swap3A_629 = arith.constant 13 : i32
      %swap3A_630 = arith.index_cast %swap3A_629 : i32 to index
      %swap3A_631 = arith.index_cast %mul3A_628 : i32 to index
      %swap3A_632 = tpu.vector_load %arg9[%swap3A_630, %swap3A_631] {strides = array<i32>} : memref<20x512xf32, #tpu.memory_space<vmem>>, vector<16xf32>,
      tpu.vector_store %arg9[%swap3A_630, %swap3A_631], %gather3A_626 {strides = array<i32>} : memref<20x512xf32, #tpu.memory_space<vmem>>, vector<16xf32>,
      %lt3A_633 = arith.constant 0 : i32
      %lt3A_634 = vector.broadcast %lt3A_633 : i32 to vector<16xi32>
      %lt3A_635 = arith.cmpi slt, %get3A_189, %lt3A_634 : vector<16xi32>
      %add3A_636 = arith.constant 16 : i32
      %add3A_637 = vector.broadcast %add3A_636 : i32 to vector<16xi32>
      %add3A_638 = arith.addi %get3A_189, %add3A_637 : vector<16xi32>
      %select_n3A_639 = arith.select %lt3A_635, %add3A_638, %get3A_189 : vector<16xi1>, vector<16xi32>
      %reshape3A_640 = vector.shape_cast %select_n3A_639 : vector<16xi32> to vector<16x1xi32>
      %gather3A_641 = vector.shape_cast %reshape3A_640 : vector<16x1xi32> to vector<16xi32>
      %gather3A_642 = tpu.dynamic_gather %get3A_63[%gather3A_641] in [0] : vector<16xf32>, vector<16xi32> -> vector<16xf32>
      %mul3A_643 = arith.constant 16 : i32
      %mul3A_644 = arith.muli %scan3A_185, %mul3A_643 : i32
      %swap3A_645 = arith.constant 14 : i32
      %swap3A_646 = arith.index_cast %swap3A_645 : i32 to index
      %swap3A_647 = arith.index_cast %mul3A_644 : i32 to index
      %swap3A_648 = tpu.vector_load %arg8[%swap3A_646, %swap3A_647] {strides = array<i32>} : memref<20x512xf32, #tpu.memory_space<vmem>>, vector<16xf32>,
      tpu.vector_store %arg8[%swap3A_646, %swap3A_647], %gather3A_642 {strides = array<i32>} : memref<20x512xf32, #tpu.memory_space<vmem>>, vector<16xf32>,
      %lt3A_649 = arith.constant 0 : i32
      %lt3A_650 = vector.broadcast %lt3A_649 : i32 to vector<16xi32>
      %lt3A_651 = arith.cmpi slt, %get3A_189, %lt3A_650 : vector<16xi32>
      %add3A_652 = arith.constant 16 : i32
      %add3A_653 = vector.broadcast %add3A_652 : i32 to vector<16xi32>
      %add3A_654 = arith.addi %get3A_189, %add3A_653 : vector<16xi32>
      %select_n3A_655 = arith.select %lt3A_651, %add3A_654, %get3A_189 : vector<16xi1>, vector<16xi32>
      %reshape3A_656 = vector.shape_cast %select_n3A_655 : vector<16xi32> to vector<16x1xi32>
      %gather3A_657 = vector.shape_cast %reshape3A_656 : vector<16x1xi32> to vector<16xi32>
      %gather3A_658 = tpu.dynamic_gather %get3A_143[%gather3A_657] in [0] : vector<16xf32>, vector<16xi32> -> vector<16xf32>
      %mul3A_659 = arith.constant 16 : i32
      %mul3A_660 = arith.muli %scan3A_185, %mul3A_659 : i32
      %swap3A_661 = arith.constant 14 : i32
      %swap3A_662 = arith.index_cast %swap3A_661 : i32 to index
      %swap3A_663 = arith.index_cast %mul3A_660 : i32 to index
      %swap3A_664 = tpu.vector_load %arg9[%swap3A_662, %swap3A_663] {strides = array<i32>} : memref<20x512xf32, #tpu.memory_space<vmem>>, vector<16xf32>,
      tpu.vector_store %arg9[%swap3A_662, %swap3A_663], %gather3A_658 {strides = array<i32>} : memref<20x512xf32, #tpu.memory_space<vmem>>, vector<16xf32>,
      %lt3A_665 = arith.constant 0 : i32
      %lt3A_666 = vector.broadcast %lt3A_665 : i32 to vector<16xi32>
      %lt3A_667 = arith.cmpi slt, %get3A_189, %lt3A_666 : vector<16xi32>
      %add3A_668 = arith.constant 16 : i32
      %add3A_669 = vector.broadcast %add3A_668 : i32 to vector<16xi32>
      %add3A_670 = arith.addi %get3A_189, %add3A_669 : vector<16xi32>
      %select_n3A_671 = arith.select %lt3A_667, %add3A_670, %get3A_189 : vector<16xi1>, vector<16xi32>
      %reshape3A_672 = vector.shape_cast %select_n3A_671 : vector<16xi32> to vector<16x1xi32>
      %gather3A_673 = vector.shape_cast %reshape3A_672 : vector<16x1xi32> to vector<16xi32>
      %gather3A_674 = tpu.dynamic_gather %get3A_67[%gather3A_673] in [0] : vector<16xf32>, vector<16xi32> -> vector<16xf32>
      %mul3A_675 = arith.constant 16 : i32
      %mul3A_676 = arith.muli %scan3A_185, %mul3A_675 : i32
      %swap3A_677 = arith.constant 15 : i32
      %swap3A_678 = arith.index_cast %swap3A_677 : i32 to index
      %swap3A_679 = arith.index_cast %mul3A_676 : i32 to index
      %swap3A_680 = tpu.vector_load %arg8[%swap3A_678, %swap3A_679] {strides = array<i32>} : memref<20x512xf32, #tpu.memory_space<vmem>>, vector<16xf32>,
      tpu.vector_store %arg8[%swap3A_678, %swap3A_679], %gather3A_674 {strides = array<i32>} : memref<20x512xf32, #tpu.memory_space<vmem>>, vector<16xf32>,
      %lt3A_681 = arith.constant 0 : i32
      %lt3A_682 = vector.broadcast %lt3A_681 : i32 to vector<16xi32>
      %lt3A_683 = arith.cmpi slt, %get3A_189, %lt3A_682 : vector<16xi32>
      %add3A_684 = arith.constant 16 : i32
      %add3A_685 = vector.broadcast %add3A_684 : i32 to vector<16xi32>
      %add3A_686 = arith.addi %get3A_189, %add3A_685 : vector<16xi32>
      %select_n3A_687 = arith.select %lt3A_683, %add3A_686, %get3A_189 : vector<16xi1>, vector<16xi32>
      %reshape3A_688 = vector.shape_cast %select_n3A_687 : vector<16xi32> to vector<16x1xi32>
      %gather3A_689 = vector.shape_cast %reshape3A_688 : vector<16x1xi32> to vector<16xi32>
      %gather3A_690 = tpu.dynamic_gather %get3A_147[%gather3A_689] in [0] : vector<16xf32>, vector<16xi32> -> vector<16xf32>
      %mul3A_691 = arith.constant 16 : i32
      %mul3A_692 = arith.muli %scan3A_185, %mul3A_691 : i32
      %swap3A_693 = arith.constant 15 : i32
      %swap3A_694 = arith.index_cast %swap3A_693 : i32 to index
      %swap3A_695 = arith.index_cast %mul3A_692 : i32 to index
      %swap3A_696 = tpu.vector_load %arg9[%swap3A_694, %swap3A_695] {strides = array<i32>} : memref<20x512xf32, #tpu.memory_space<vmem>>, vector<16xf32>,
      tpu.vector_store %arg9[%swap3A_694, %swap3A_695], %gather3A_690 {strides = array<i32>} : memref<20x512xf32, #tpu.memory_space<vmem>>, vector<16xf32>,
      %lt3A_697 = arith.constant 0 : i32
      %lt3A_698 = vector.broadcast %lt3A_697 : i32 to vector<16xi32>
      %lt3A_699 = arith.cmpi slt, %get3A_189, %lt3A_698 : vector<16xi32>
      %add3A_700 = arith.constant 16 : i32
      %add3A_701 = vector.broadcast %add3A_700 : i32 to vector<16xi32>
      %add3A_702 = arith.addi %get3A_189, %add3A_701 : vector<16xi32>
      %select_n3A_703 = arith.select %lt3A_699, %add3A_702, %get3A_189 : vector<16xi1>, vector<16xi32>
      %reshape3A_704 = vector.shape_cast %select_n3A_703 : vector<16xi32> to vector<16x1xi32>
      %gather3A_705 = vector.shape_cast %reshape3A_704 : vector<16x1xi32> to vector<16xi32>
      %gather3A_706 = tpu.dynamic_gather %get3A_71[%gather3A_705] in [0] : vector<16xf32>, vector<16xi32> -> vector<16xf32>
      %mul3A_707 = arith.constant 16 : i32
      %mul3A_708 = arith.muli %scan3A_185, %mul3A_707 : i32
      %swap3A_709 = arith.constant 16 : i32
      %swap3A_710 = arith.index_cast %swap3A_709 : i32 to index
      %swap3A_711 = arith.index_cast %mul3A_708 : i32 to index
      %swap3A_712 = tpu.vector_load %arg8[%swap3A_710, %swap3A_711] {strides = array<i32>} : memref<20x512xf32, #tpu.memory_space<vmem>>, vector<16xf32>,
      tpu.vector_store %arg8[%swap3A_710, %swap3A_711], %gather3A_706 {strides = array<i32>} : memref<20x512xf32, #tpu.memory_space<vmem>>, vector<16xf32>,
      %lt3A_713 = arith.constant 0 : i32
      %lt3A_714 = vector.broadcast %lt3A_713 : i32 to vector<16xi32>
      %lt3A_715 = arith.cmpi slt, %get3A_189, %lt3A_714 : vector<16xi32>
      %add3A_716 = arith.constant 16 : i32
      %add3A_717 = vector.broadcast %add3A_716 : i32 to vector<16xi32>
      %add3A_718 = arith.addi %get3A_189, %add3A_717 : vector<16xi32>
      %select_n3A_719 = arith.select %lt3A_715, %add3A_718, %get3A_189 : vector<16xi1>, vector<16xi32>
      %reshape3A_720 = vector.shape_cast %select_n3A_719 : vector<16xi32> to vector<16x1xi32>
      %gather3A_721 = vector.shape_cast %reshape3A_720 : vector<16x1xi32> to vector<16xi32>
      %gather3A_722 = tpu.dynamic_gather %get3A_151[%gather3A_721] in [0] : vector<16xf32>, vector<16xi32> -> vector<16xf32>
      %mul3A_723 = arith.constant 16 : i32
      %mul3A_724 = arith.muli %scan3A_185, %mul3A_723 : i32
      %swap3A_725 = arith.constant 16 : i32
      %swap3A_726 = arith.index_cast %swap3A_725 : i32 to index
      %swap3A_727 = arith.index_cast %mul3A_724 : i32 to index
      %swap3A_728 = tpu.vector_load %arg9[%swap3A_726, %swap3A_727] {strides = array<i32>} : memref<20x512xf32, #tpu.memory_space<vmem>>, vector<16xf32>,
      tpu.vector_store %arg9[%swap3A_726, %swap3A_727], %gather3A_722 {strides = array<i32>} : memref<20x512xf32, #tpu.memory_space<vmem>>, vector<16xf32>,
      %lt3A_729 = arith.constant 0 : i32
      %lt3A_730 = vector.broadcast %lt3A_729 : i32 to vector<16xi32>
      %lt3A_731 = arith.cmpi slt, %get3A_189, %lt3A_730 : vector<16xi32>
      %add3A_732 = arith.constant 16 : i32
      %add3A_733 = vector.broadcast %add3A_732 : i32 to vector<16xi32>
      %add3A_734 = arith.addi %get3A_189, %add3A_733 : vector<16xi32>
      %select_n3A_735 = arith.select %lt3A_731, %add3A_734, %get3A_189 : vector<16xi1>, vector<16xi32>
      %reshape3A_736 = vector.shape_cast %select_n3A_735 : vector<16xi32> to vector<16x1xi32>
      %gather3A_737 = vector.shape_cast %reshape3A_736 : vector<16x1xi32> to vector<16xi32>
      %gather3A_738 = tpu.dynamic_gather %get3A_75[%gather3A_737] in [0] : vector<16xf32>, vector<16xi32> -> vector<16xf32>
      %mul3A_739 = arith.constant 16 : i32
      %mul3A_740 = arith.muli %scan3A_185, %mul3A_739 : i32
      %swap3A_741 = arith.constant 17 : i32
      %swap3A_742 = arith.index_cast %swap3A_741 : i32 to index
      %swap3A_743 = arith.index_cast %mul3A_740 : i32 to index
      %swap3A_744 = tpu.vector_load %arg8[%swap3A_742, %swap3A_743] {strides = array<i32>} : memref<20x512xf32, #tpu.memory_space<vmem>>, vector<16xf32>,
      tpu.vector_store %arg8[%swap3A_742, %swap3A_743], %gather3A_738 {strides = array<i32>} : memref<20x512xf32, #tpu.memory_space<vmem>>, vector<16xf32>,
      %lt3A_745 = arith.constant 0 : i32
      %lt3A_746 = vector.broadcast %lt3A_745 : i32 to vector<16xi32>
      %lt3A_747 = arith.cmpi slt, %get3A_189, %lt3A_746 : vector<16xi32>
      %add3A_748 = arith.constant 16 : i32
      %add3A_749 = vector.broadcast %add3A_748 : i32 to vector<16xi32>
      %add3A_750 = arith.addi %get3A_189, %add3A_749 : vector<16xi32>
      %select_n3A_751 = arith.select %lt3A_747, %add3A_750, %get3A_189 : vector<16xi1>, vector<16xi32>
      %reshape3A_752 = vector.shape_cast %select_n3A_751 : vector<16xi32> to vector<16x1xi32>
      %gather3A_753 = vector.shape_cast %reshape3A_752 : vector<16x1xi32> to vector<16xi32>
      %gather3A_754 = tpu.dynamic_gather %get3A_155[%gather3A_753] in [0] : vector<16xf32>, vector<16xi32> -> vector<16xf32>
      %mul3A_755 = arith.constant 16 : i32
      %mul3A_756 = arith.muli %scan3A_185, %mul3A_755 : i32
      %swap3A_757 = arith.constant 17 : i32
      %swap3A_758 = arith.index_cast %swap3A_757 : i32 to index
      %swap3A_759 = arith.index_cast %mul3A_756 : i32 to index
      %swap3A_760 = tpu.vector_load %arg9[%swap3A_758, %swap3A_759] {strides = array<i32>} : memref<20x512xf32, #tpu.memory_space<vmem>>, vector<16xf32>,
      tpu.vector_store %arg9[%swap3A_758, %swap3A_759], %gather3A_754 {strides = array<i32>} : memref<20x512xf32, #tpu.memory_space<vmem>>, vector<16xf32>,
      %lt3A_761 = arith.constant 0 : i32
      %lt3A_762 = vector.broadcast %lt3A_761 : i32 to vector<16xi32>
      %lt3A_763 = arith.cmpi slt, %get3A_189, %lt3A_762 : vector<16xi32>
      %add3A_764 = arith.constant 16 : i32
      %add3A_765 = vector.broadcast %add3A_764 : i32 to vector<16xi32>
      %add3A_766 = arith.addi %get3A_189, %add3A_765 : vector<16xi32>
      %select_n3A_767 = arith.select %lt3A_763, %add3A_766, %get3A_189 : vector<16xi1>, vector<16xi32>
      %reshape3A_768 = vector.shape_cast %select_n3A_767 : vector<16xi32> to vector<16x1xi32>
      %gather3A_769 = vector.shape_cast %reshape3A_768 : vector<16x1xi32> to vector<16xi32>
      %gather3A_770 = tpu.dynamic_gather %get3A_79[%gather3A_769] in [0] : vector<16xf32>, vector<16xi32> -> vector<16xf32>
      %mul3A_771 = arith.constant 16 : i32
      %mul3A_772 = arith.muli %scan3A_185, %mul3A_771 : i32
      %swap3A_773 = arith.constant 18 : i32
      %swap3A_774 = arith.index_cast %swap3A_773 : i32 to index
      %swap3A_775 = arith.index_cast %mul3A_772 : i32 to index
      %swap3A_776 = tpu.vector_load %arg8[%swap3A_774, %swap3A_775] {strides = array<i32>} : memref<20x512xf32, #tpu.memory_space<vmem>>, vector<16xf32>,
      tpu.vector_store %arg8[%swap3A_774, %swap3A_775], %gather3A_770 {strides = array<i32>} : memref<20x512xf32, #tpu.memory_space<vmem>>, vector<16xf32>,
      %lt3A_777 = arith.constant 0 : i32
      %lt3A_778 = vector.broadcast %lt3A_777 : i32 to vector<16xi32>
      %lt3A_779 = arith.cmpi slt, %get3A_189, %lt3A_778 : vector<16xi32>
      %add3A_780 = arith.constant 16 : i32
      %add3A_781 = vector.broadcast %add3A_780 : i32 to vector<16xi32>
      %add3A_782 = arith.addi %get3A_189, %add3A_781 : vector<16xi32>
      %select_n3A_783 = arith.select %lt3A_779, %add3A_782, %get3A_189 : vector<16xi1>, vector<16xi32>
      %reshape3A_784 = vector.shape_cast %select_n3A_783 : vector<16xi32> to vector<16x1xi32>
      %gather3A_785 = vector.shape_cast %reshape3A_784 : vector<16x1xi32> to vector<16xi32>
      %gather3A_786 = tpu.dynamic_gather %get3A_159[%gather3A_785] in [0] : vector<16xf32>, vector<16xi32> -> vector<16xf32>
      %mul3A_787 = arith.constant 16 : i32
      %mul3A_788 = arith.muli %scan3A_185, %mul3A_787 : i32
      %swap3A_789 = arith.constant 18 : i32
      %swap3A_790 = arith.index_cast %swap3A_789 : i32 to index
      %swap3A_791 = arith.index_cast %mul3A_788 : i32 to index
      %swap3A_792 = tpu.vector_load %arg9[%swap3A_790, %swap3A_791] {strides = array<i32>} : memref<20x512xf32, #tpu.memory_space<vmem>>, vector<16xf32>,
      tpu.vector_store %arg9[%swap3A_790, %swap3A_791], %gather3A_786 {strides = array<i32>} : memref<20x512xf32, #tpu.memory_space<vmem>>, vector<16xf32>,
      %lt3A_793 = arith.constant 0 : i32
      %lt3A_794 = vector.broadcast %lt3A_793 : i32 to vector<16xi32>
      %lt3A_795 = arith.cmpi slt, %get3A_189, %lt3A_794 : vector<16xi32>
      %add3A_796 = arith.constant 16 : i32
      %add3A_797 = vector.broadcast %add3A_796 : i32 to vector<16xi32>
      %add3A_798 = arith.addi %get3A_189, %add3A_797 : vector<16xi32>
      %select_n3A_799 = arith.select %lt3A_795, %add3A_798, %get3A_189 : vector<16xi1>, vector<16xi32>
      %reshape3A_800 = vector.shape_cast %select_n3A_799 : vector<16xi32> to vector<16x1xi32>
      %gather3A_801 = vector.shape_cast %reshape3A_800 : vector<16x1xi32> to vector<16xi32>
      %gather3A_802 = tpu.dynamic_gather %get3A_83[%gather3A_801] in [0] : vector<16xf32>, vector<16xi32> -> vector<16xf32>
      %mul3A_803 = arith.constant 16 : i32
      %mul3A_804 = arith.muli %scan3A_185, %mul3A_803 : i32
      %swap3A_805 = arith.constant 19 : i32
      %swap3A_806 = arith.index_cast %swap3A_805 : i32 to index
      %swap3A_807 = arith.index_cast %mul3A_804 : i32 to index
      %swap3A_808 = tpu.vector_load %arg8[%swap3A_806, %swap3A_807] {strides = array<i32>} : memref<20x512xf32, #tpu.memory_space<vmem>>, vector<16xf32>,
      tpu.vector_store %arg8[%swap3A_806, %swap3A_807], %gather3A_802 {strides = array<i32>} : memref<20x512xf32, #tpu.memory_space<vmem>>, vector<16xf32>,
      %lt3A_809 = arith.constant 0 : i32
      %lt3A_810 = vector.broadcast %lt3A_809 : i32 to vector<16xi32>
      %lt3A_811 = arith.cmpi slt, %get3A_189, %lt3A_810 : vector<16xi32>
      %add3A_812 = arith.constant 16 : i32
      %add3A_813 = vector.broadcast %add3A_812 : i32 to vector<16xi32>
      %add3A_814 = arith.addi %get3A_189, %add3A_813 : vector<16xi32>
      %select_n3A_815 = arith.select %lt3A_811, %add3A_814, %get3A_189 : vector<16xi1>, vector<16xi32>
      %reshape3A_816 = vector.shape_cast %select_n3A_815 : vector<16xi32> to vector<16x1xi32>
      %gather3A_817 = vector.shape_cast %reshape3A_816 : vector<16x1xi32> to vector<16xi32>
      %gather3A_818 = tpu.dynamic_gather %get3A_163[%gather3A_817] in [0] : vector<16xf32>, vector<16xi32> -> vector<16xf32>
      %mul3A_819 = arith.constant 16 : i32
      %mul3A_820 = arith.muli %scan3A_185, %mul3A_819 : i32
      %swap3A_821 = arith.constant 19 : i32
      %swap3A_822 = arith.index_cast %swap3A_821 : i32 to index
      %swap3A_823 = arith.index_cast %mul3A_820 : i32 to index
      %swap3A_824 = tpu.vector_load %arg9[%swap3A_822, %swap3A_823] {strides = array<i32>} : memref<20x512xf32, #tpu.memory_space<vmem>>, vector<16xf32>,
      tpu.vector_store %arg9[%swap3A_822, %swap3A_823], %gather3A_818 {strides = array<i32>} : memref<20x512xf32, #tpu.memory_space<vmem>>, vector<16xf32>,
    }
    %scan3A_168 = arith.constant 32 : i32
    %dma_start3A_169 = arith.constant 0 : i32
    %dma_start3A_170 = tpu.memref_slice %arg4[%dma_start3A_169, %mul3A_2] : memref<20x16384xf32, #tpu.memory_space<hbm>> -> memref<20x512xf32, #tpu.memory_space<hbm>>
    %dma_start3A_171 = arith.constant 0 : i32
    %dma_start3A_172 = tpu.memref_slice %arg4[%dma_start3A_171, %mul3A_2] : memref<20x16384xf32, #tpu.memory_space<hbm>> -> memref<20x512xf32, #tpu.memory_space<hbm>>
    tpu.enqueue_dma source(%arg8 : memref<20x512xf32, #tpu.memory_space<vmem>>) target(%dma_start3A_172 : memref<20x512xf32, #tpu.memory_space<hbm>>) target_semaphore(%arg10 : memref<!tpu.dma_semaphore, #tpu.memory_space<semaphore_mem>>)
    %dma_start3A_173 = arith.constant 0 : i32
    %dma_start3A_174 = tpu.memref_slice %arg5[%dma_start3A_173, %mul3A_2] : memref<20x16384xf32, #tpu.memory_space<hbm>> -> memref<20x512xf32, #tpu.memory_space<hbm>>
    %dma_start3A_175 = arith.constant 0 : i32
    %dma_start3A_176 = tpu.memref_slice %arg5[%dma_start3A_175, %mul3A_2] : memref<20x16384xf32, #tpu.memory_space<hbm>> -> memref<20x512xf32, #tpu.memory_space<hbm>>
    tpu.enqueue_dma source(%arg9 : memref<20x512xf32, #tpu.memory_space<vmem>>) target(%dma_start3A_176 : memref<20x512xf32, #tpu.memory_space<hbm>>) target_semaphore(%arg11 : memref<!tpu.dma_semaphore, #tpu.memory_space<semaphore_mem>>)
    %dma_wait3A_177 = arith.constant 0 : i32
    %dma_wait3A_178 = tpu.memref_slice %arg4[%dma_wait3A_177, %mul3A_2] : memref<20x16384xf32, #tpu.memory_space<hbm>> -> memref<20x512xf32, #tpu.memory_space<hbm>>
    %dma_wait3A_179 = arith.constant 0 : i32
    %dma_wait3A_180 = tpu.memref_slice %arg4[%dma_wait3A_179, %mul3A_2] : memref<20x16384xf32, #tpu.memory_space<hbm>> -> memref<20x512xf32, #tpu.memory_space<hbm>>
    tpu.wait_dma2 semaphore(%arg10 : memref<!tpu.dma_semaphore, #tpu.memory_space<semaphore_mem>>) src(%arg8 : memref<20x512xf32, #tpu.memory_space<vmem>>) dst(%dma_wait3A_180 : memref<20x512xf32, #tpu.memory_space<hbm>>)
    %dma_wait3A_181 = arith.constant 0 : i32
    %dma_wait3A_182 = tpu.memref_slice %arg5[%dma_wait3A_181, %mul3A_2] : memref<20x16384xf32, #tpu.memory_space<hbm>> -> memref<20x512xf32, #tpu.memory_space<hbm>>
    %dma_wait3A_183 = arith.constant 0 : i32
    %dma_wait3A_184 = tpu.memref_slice %arg5[%dma_wait3A_183, %mul3A_2] : memref<20x16384xf32, #tpu.memory_space<hbm>> -> memref<20x512xf32, #tpu.memory_space<hbm>>
    tpu.wait_dma2 semaphore(%arg11 : memref<!tpu.dma_semaphore, #tpu.memory_space<semaphore_mem>>) src(%arg9 : memref<20x512xf32, #tpu.memory_space<vmem>>) dst(%dma_wait3A_184 : memref<20x512xf32, #tpu.memory_space<hbm>>)
    return
  }
}

module attributes {stable_mosaic.version = 14 : i64} {
  func.func @_lut_body(%arg0: memref<10x50xf32, #tpu.memory_space<vmem>>, %arg1: memref<50x20xf32, #tpu.memory_space<vmem>>, %arg2: memref<20xf32, #tpu.memory_space<vmem>>, %arg3: memref<50x20xf32, #tpu.memory_space<vmem>>, %arg4: memref<20xf32, #tpu.memory_space<vmem>>, %arg5: memref<40x16xf32, #tpu.memory_space<vmem>>) attributes {dimension_semantics = [], scalar_prefetch = 0 : i64, scratch_operands = 0 : i64, tpu.core_type = #tpu.core_type<tc>} {
    %get3A = arith.constant 0 : index
    %get3A_0 = arith.constant 0 : index
    %get3A_1 = vector.load %arg0[%get3A, %get3A_0] : memref<10x50xf32, #tpu.memory_space<vmem>>, vector<10x50xf32>
    %max3A = arith.constant 0.000000e+00 : f32
    %max3A_2 = vector.broadcast %max3A : f32 to vector<10x50xf32>
    %max3A_3 = arith.maximumf %get3A_1, %max3A_2 : vector<10x50xf32>
    %get3A_4 = arith.constant 0 : index
    %get3A_5 = arith.constant 0 : index
    %get3A_6 = vector.load %arg1[%get3A_4, %get3A_5] : memref<50x20xf32, #tpu.memory_space<vmem>>, vector<50x20xf32>
    %get3A_7 = arith.constant 0 : index
    %get3A_8 = arith.constant 0 : index
    %get3A_9 = vector.load %arg3[%get3A_7, %get3A_8] : memref<50x20xf32, #tpu.memory_space<vmem>>, vector<50x20xf32>
    %concatenate3A = tpu.concatenate %get3A_6, %get3A_9 in 1 : vector<50x20xf32>, vector<50x20xf32> -> vector<50x40xf32>
    %dot_general3A = arith.constant dense<0.000000e+00> : vector<10x40xf32>
    %dot_general3A_10 = tpu.matmul %max3A_3, %concatenate3A, %dot_general3A {dimension_numbers = #tpu.dot_dimension_numbers<[1], [0], [0], [1], [0, 0, 1, 1], [], []>, transpose_lhs_hint = false} : vector<10x50xf32>, vector<50x40xf32>, vector<10x40xf32> -> vector<10x40xf32>
    %get3A_11 = arith.constant 0 : index
    %get3A_12 = vector.load %arg2[%get3A_11] : memref<20xf32, #tpu.memory_space<vmem>>, vector<20xf32>
    %reshape3A = vector.shape_cast %get3A_12 : vector<20xf32> to vector<1x20xf32>
    %get3A_13 = arith.constant 0 : index
    %get3A_14 = vector.load %arg4[%get3A_13] : memref<20xf32, #tpu.memory_space<vmem>>, vector<20xf32>
    %reshape3A_15 = vector.shape_cast %get3A_14 : vector<20xf32> to vector<1x20xf32>
    %concatenate3A_16 = tpu.concatenate %reshape3A, %reshape3A_15 in 1 : vector<1x20xf32>, vector<1x20xf32> -> vector<1x40xf32>
    %add3A = vector.broadcast %concatenate3A_16 : vector<1x40xf32> to vector<10x40xf32>
    %add3A_17 = arith.addf %dot_general3A_10, %add3A : vector<10x40xf32>
    %transpose3A = tpu.transpose %add3A_17, [1, 0] : vector<10x40xf32> -> vector<40x10xf32>
    %jit3A = arith.constant 0 : i32
    %convert_element_type3A = arith.sitofp %jit3A : i32 to f32
    %pad3A = vector.broadcast %convert_element_type3A : f32 to vector<40x6xf32>
    %pad3A_18 = tpu.concatenate %transpose3A, %pad3A in 1 : vector<40x10xf32>, vector<40x6xf32> -> vector<40x16xf32>
    %swap3A = arith.constant 0 : index
    %swap3A_19 = arith.constant 0 : index
    %swap3A_20 = vector.load %arg5[%swap3A, %swap3A_19] : memref<40x16xf32, #tpu.memory_space<vmem>>, vector<40x16xf32>
    tpu.vector_store %arg5[%swap3A, %swap3A_19], %pad3A_18 {strides = array<i32>} : memref<40x16xf32, #tpu.memory_space<vmem>>, vector<40x16xf32>,
    return
  }
}

</mosaic_0001>

<sc_bundles>
// kernel: kernel.4.cloned.1.call-start
scs
__scs_entry_jumppad:
0x0: {  	(pc) =	sbr.rel $0x88, $3  }
0x1: {  	(tag) =	ssettag $0x0;
	lr =	simm.s32 $0x1  }
0x2: {  	[smem:$0x3F9B] =	sst lr;
	_ =	strace $0xD0000000  }
0x3: {  	_ = 	snop  }
0x4: {  	_ = 	snop  }
0x5: {  	_ = 	snop  }
0x6: {  	_ = 	snop  }
0x7: {  	_ = 	snop  }
__scs_overlays_trampoline_lowered:
0x8: {  	[smem:$0x3FAA] =	sst s0  }
0x9: {  	[smem:$0x3FAB] =	sst s1  }
0xa: {  	[smem:$0x3FAC] =	sst s2  }
0xb: {  	[smem:$0x3FAD] =	sst s3  }
0xc: {  	[smem:$0x3FAE] =	sst s4  }
0xd: {  	[smem:$0x3FAF] =	sst s5  }
0xe: {  	[smem:$0x3FB0] =	sst s6  }
0xf: {  	[smem:$0x3FB1] =	sst s7  }
0x10: {  	[smem:$0x3FB2] =	sst s8  }
0x11: {  	[smem:$0x3FB3] =	sst s9;
	s0 =	simm.s32 @!p0 $0x0  }
0x12: {  	s1 =	sld [smem:$0x3F99];
	s0 =	simm.s32 @p0 $0x1  }
0x13: {  	[smem:$0x3FB4] =	sst s0;
	s0 =	simm.s32 @!p1 $0x0  }
0x14: {  	s2 =	sld [smem:$0x3F98];
	s0 =	simm.s32 @p1 $0x1  }
0x15: {  	[smem:$0x3FB5] =	sst s0;
	s0 =	simm.s32 @!p2 $0x0  }
0x16: {  	s3 =	sld [smem:$0x3FDB];
	s0 =	simm.s32 @p2 $0x1  }
0x17: {  	s4 =	simm.s32 $0x1BF5;
	[smem:$0x3FB7] =	sst s0  }
0x18: {  	s0 =	sld [smem:$0x3F9A];
	_ =	swait.ge [sflag:s4], $0x0  }
0x19: {  	s7 =	sld [smem:$0x3F9B]  }
0x1a: {  	s8 =	sadd.s32 $0xFFFFE003, lr  }
0x1b: {  	s9 =	sadd.s32 $0xFFFFFEF7, lr;
	s5 =	simm.s32 $0xFFFFFFFF;
	p2 =	slt.u32 s8, $0xFFFFF086  }
0x1c: {  	p1 =	slt.u32 s9, $0xF7A;
	s5 =	simm.s32 @!p2 $0x0  }
0x1d: {  	s5 =	simm.s32 @p1 $0x1;
	p0 =	seq.s32 s7, s2  }
0x1e: {  	s7 =	smul.u32 @!p0 $0xF7A, s2;
	p2 =	seq.s32 @!p0 s5, $0x0  }
0x1f: {  	s9 =	smul.u32 $0xF7A, s1;
	s8 =	simm.s32 @!p0 $0x1BF5;
	p2 =	por !p2, p0  }
0x20: {  	[sflag:s8] =	ssyncset.s32 @!p0 $0xFFFFF086;
	s6 =	sadd.s32 @!p0 s3, s7;
	s7 =	simm.s32 @!p0 $0x108  }
0x21: {  	s3 =	sadd.s32 s3, s9;
	s6 =	sadd.s32 @!p0 $0x88, s6;
	s7 =	simm.s32 @p2 $0x1082  }
0x22: {  	[simem:s7], [sflag:s8] =	dma.local @!p0 [hbm:s6], $0xF7A  }
0x23: {  	s9 =	sor.u32 $0xD0000000, s2;
	s6 =	simm.s32 $0x108;
	_ =	swait.ge @!p0 [sflag:s8], $0x0  }
0x24: {  	s3 =	sadd.s32 $0x88, s3;
	s6 =	simm.s32 @!p1 $0x1082;
	[sflag:s4] =	ssyncset.s32 $0xFFFFF086  }
0x25: {  	[simem:s6], [sflag:s4] =	dma.local [hbm:s3], $0xF7A  }
0x26: {  	[smem:$0x3F9B] =	sst s1;
	(tag) =	ssettag s2;
	_ =	strace s9  }
0x27: {  	s1 =	sld [smem:$0x3FAB]  }
0x28: {  	s2 =	sld [smem:$0x3FAC]  }
0x29: {  	s4 =	sld [smem:$0x3FAE]  }
0x2a: {  	p0 =	seq.s32 s5, $0x0;
	s5 =	sld [smem:$0x3FAF]  }
0x2b: {  	s6 =	sld [smem:$0x3FB0]  }
0x2c: {  	s7 =	sld [smem:$0x3FB1]  }
0x2d: {  	s3 =	simm.s32 $0x108;
	s8 =	sld [smem:$0x3FB2]  }
0x2e: {  	s3 =	simm.s32 @!p0 $0x1082;
	s9 =	sld [smem:$0x3FB3]  }
0x2f: {  	lr =	sadd.s32 s0, s3;
	s0 =	sld [smem:$0x3FAA]  }
0x30: {  	s3 =	sld [smem:$0x3FAD]  }
0x31: {  	[smem:$0x3FB6] =	sst s10  }
0x32: {  	s10 =	sld [smem:$0x3FB4];
	_ =	sdelay $0x3  }
0x33: {  	p0 =	seq.s32 s10, $0x1;
	s10 =	sld [smem:$0x3FB6];
	_ =	sdelay $0x3  }
0x34: {  	[smem:$0x3FB6] =	sst s10  }
0x35: {  	s10 =	sld [smem:$0x3FB5];
	_ =	sdelay $0x3  }
0x36: {  	p1 =	seq.s32 s10, $0x1;
	s10 =	sld [smem:$0x3FB6];
	_ =	sdelay $0x3  }
0x37: {  	[smem:$0x3FB6] =	sst s10  }
0x38: {  	s10 =	sld [smem:$0x3FB7]  }
0x39: {  	_ = 	snop;
	(pc) =	sbr.ind lr, $3  }
0x3a: {  	_ = 	snop  }
0x3b: {  	_ = 	snop  }
0x3c: {  	p2 =	seq.s32 s10, $0x1;
	s10 =	sld [smem:$0x3FB6]  }
0x3d: {  	_ =	shalt  }
0x3e: {  	_ =	shalt  }
0x3f: {  	_ =	shalt  }
0x40: {  	_ =	shalt  }
0x41: {  	_ =	shalt  }
0x42: {  	_ =	shalt  }
0x43: {  	_ =	shalt  }
0x44: {  	_ =	shalt  }
0x45: {  	_ =	shalt  }
0x46: {  	_ =	shalt  }
0x47: {  	_ =	shalt  }
0x48: {  	_ =	shalt  }
0x49: {  	_ =	shalt  }
0x4a: {  	_ =	shalt  }
0x4b: {  	_ =	shalt  }
0x4c: {  	_ =	shalt  }
0x4d: {  	_ =	shalt  }
0x4e: {  	_ =	shalt  }
0x4f: {  	_ =	shalt  }
0x50: {  	_ =	shalt  }
0x51: {  	_ =	shalt  }
0x52: {  	_ =	shalt  }
0x53: {  	_ =	shalt  }
0x54: {  	_ =	shalt  }
0x55: {  	_ =	shalt  }
0x56: {  	_ =	shalt  }
0x57: {  	_ =	shalt  }
0x58: {  	_ =	shalt  }
0x59: {  	_ =	shalt  }
0x5a: {  	_ =	shalt  }
0x5b: {  	_ =	shalt  }
0x5c: {  	_ =	shalt  }
0x5d: {  	_ =	shalt  }
0x5e: {  	_ =	shalt  }
0x5f: {  	_ =	shalt  }
0x60: {  	_ =	shalt  }
0x61: {  	_ =	shalt  }
0x62: {  	_ =	shalt  }
0x63: {  	_ =	shalt  }
0x64: {  	_ =	shalt  }
0x65: {  	_ =	shalt  }
0x66: {  	_ =	shalt  }
0x67: {  	_ =	shalt  }
0x68: {  	_ =	shalt  }
0x69: {  	_ =	shalt  }
0x6a: {  	_ =	shalt  }
0x6b: {  	_ =	shalt  }
0x6c: {  	_ =	shalt  }
0x6d: {  	_ =	shalt  }
0x6e: {  	_ =	shalt  }
0x6f: {  	_ =	shalt  }
0x70: {  	_ =	shalt  }
0x71: {  	_ =	shalt  }
0x72: {  	_ =	shalt  }
0x73: {  	_ =	shalt  }
0x74: {  	_ =	shalt  }
0x75: {  	_ =	shalt  }
0x76: {  	_ =	shalt  }
0x77: {  	_ =	shalt  }
0x78: {  	_ =	shalt  }
0x79: {  	_ =	shalt  }
0x7a: {  	_ =	shalt  }
0x7b: {  	_ =	shalt  }
0x7c: {  	_ =	shalt  }
0x7d: {  	_ =	shalt  }
0x7e: {  	_ =	shalt  }
0x7f: {  	_ =	shalt  }
0x80: {  	_ =	shalt  }
0x81: {  	_ =	shalt  }
0x82: {  	_ =	shalt  }
0x83: {  	_ =	shalt  }
0x84: {  	_ =	shalt  }
0x85: {  	_ =	shalt  }
0x86: {  	_ =	shalt  }
0x87: {  	_ =	shalt  }
.Lfunc_end0:
.L_simem_size_0:
called_computation_lowered:
.L_overlay_start_0:
0x88: {  	s2 =	sld [smem:$0x3FD9]  }
0x89: {  	s3 =	sld [smem:$0x3FFE];
	_ =	sdelay $0x1  }
0x8a: {  	s1 =	srdreg.scid  }
0x8b: {  	s0 =	sand.u32 $0x1, s1  }
0x8c: {  	s14 =	sshll.u32 s0, $0xA;
	s2 =	sadd.s32 s3, s2  }
0x8d: {  	s2 =	sadd.s32 s2, s14  }
0x8e: {  	[smem:$0x3FC2] =	sst s2  }
0x8f: {  	_ = 	snop  }
0x90: {  	s2 =	sld [smem:$0x3FD0];
	_ =	sdelay $0x2  }
0x91: {  	s4 =	simm.s32 $0xA;
	s5 =	simm.s32 $0x10;
	s15 =	sld [smem:$0x3FC9]  }
0x92: {  	[smem:s5], [sflag:s4] =	dma.local [hbm:s2], $0x1  }
0x93: {  	_ =	swait.eq [sflag:s4], $0x1  }
0x94: {  	[sflag:s4] =	ssyncset.done $0x0  }
0x95: {  	s16 =	sld [smem:$0x10];
	[sflag:s4] =	ssyncadd.s32 $0xFFFFFFFF  }
0x96: {  	s17 =	sld [smem:$0x11];
	(tm) =	ssettm $0x1  }
0x97: {  	s18 =	sld [smem:$0x3FFB];
	_ =	sdelay $0x3  }
0x98: {  	_ =	strace s18  }
0x99: {  	s5 =	sld [smem:$0x3FFC];
	_ =	sdelay $0x3  }
0x9a: {  	_ =	strace s5  }
0x9b: {  	s5 =	sld [smem:$0x3FFD];
	_ =	sdelay $0x3  }
0x9c: {  	_ =	strace s5  }
0x9d: {  	_ =	strace $0x8FFFFFFF  }
0x9e: {  	s19 =	sld [smem:$0x3FDB];
	_ =	sdelay $0x1  }
0x9f: {  	s6 =	simm.s32 $_scs_section_size  }
0xa0: {  	s7 =	simm.s32 $_size__tile_overlayer_lowered;
	s8 =	simm.s32 $_tile_overlayer_lowered  }
0xa1: {  	s22 =	simm.s32 $0x1BFF;
	s21 =	sshll.u32 s8, $0x1;
	s5 =	sadd.s32 s6, s19  }
0xa2: {  	s9 =	simm.s32 $0x0;
	s20 =	sshll.u32 s7, $0x1;
	s7 =	sadd.s32 s21, s5  }
0xa3: {  	[timem:s9], [sflag:s22] =	dma.local [hbm:s7], s20  }
0xa4: {  	_ =	swait.ge [sflag:s22], s20  }
0xa5: {  	s6 =	ssub.s32 $0x0, s20;
	[sflag:s22] =	ssyncset.done $0x0  }
0xa6: {  	[sflag:s22] =	ssyncadd.s32 s6;
	_ =	sdelay $0x1  }
0xa7: {  	s23 =	simm.s32 $0x1B8B  }
0xa8: {  	_ =	swait.ge [sflag:s23], $0x1  }
0xa9: {  	[sflag:s23] =	ssyncset.done $0x0  }
0xaa: {  	s25 =	simm.s32 $0x1B8E;
	s24 =	sld [smem:$0x3FFE];
	[sflag:s23] =	ssyncadd.s32 $0xFFFFFFFF  }
0xab: {  	s26 =	simm.s32 $execute0_lowered;
	[smem:$0x3FD2] =	sst s25  }
0xac: {  	s7 =	sshll.u32 s26, $0x1;
	_ =	strace $0x80000046;
	[dreg:$0x1] =	wrdreg $0xFFFFFFFF  }
0xad: {  	s28 =	simm.s32 $_size_execute0_lowered;
	s5 =	sadd.s32 s5, s7;
	[dreg:$0x0] =	wrdreg $0x0  }
0xae: {  	s7 =	sshll.u32 s28, $0x1;
	[dreg:$0x2] =	wrdreg s5  }
0xaf: {  	[dreg:$0x3] =	wrdreg s7  }
0xb0: {  	[dreg:$0x4] =	wrdreg $0xC0  }
0xb1: {  	_ =	task [dreg:s9], $0x5FFFF  }
0xb2: {  	[dreg:$0x1] =	wrdreg $0xFFFFFFFF  }
0xb3: {  	[dreg:$0x0] =	wrdreg $0x60  }
0xb4: {  	[dreg:$0x2] =	wrdreg s15  }
0xb5: {  	[dreg:$0x3] =	wrdreg s24  }
0xb6: {  	[dreg:$0x4] =	wrdreg s16  }
0xb7: {  	[dreg:$0x5] =	wrdreg s17  }
0xb8: {  	[dreg:$0x6] =	wrdreg $0x9  }
0xb9: {  	_ =	task.clear_ibuf [dreg:s9], $0x7FFFF;
	_ =	strace $0x90000046  }
0xba: {  	s29 =	simm.s32 $0x9;
	_ =	strace $0x80000048  }
0xbb: {  	_ =	swait.ge [sflag:s29], $0x1  }
0xbc: {  	[sflag:s29] =	ssyncadd.s32 $0xFFFFFFFF  }
0xbd: {  	_ =	strace $0x90000048  }
0xbe: {  	_ =	sfence  }
0xbf: {  	s30 =	sld [smem:$0x0];
	_ =	sdelay $0x2  }
0xc0: {  	s31 =	sshll.u32 s1, $0xD;
	s1 =	sshrl.u32 s1, $0x2  }
0xc1: {  	s3 =	sand.u32 $0x4000, s31;
	s1 =	sadd.s32 s1, s30  }
0xc2: {  	s0 =	sor.u32 s3, s0;
	s1 =	sshll.u32 s1, $0x11  }
0xc3: {  	s0 =	sor.u32 s1, s0  }
0xc4: {  	s0 =	sadd.s32 $0x8F2B, s0  }
0xc5: {  	[sflag:s0] =	ssyncadd.remote.s32 $0x1  }
0xc6: {  	_ =	sfence.sel $0xFFFF  }
0xc7: {  	[dreg:$0x0] =	wrdreg $0xFFFFFFFF;
	(pc) =	sbr.abs _section_cstart, $3  }
0xc8: {  	[dreg:$0x1] =	wrdreg $0xFFFFFFFF  }
0xc9: {  	_ =	task.clear_ibuf [dreg:s9], $0x2FFFF;
	_ =	strace $0x9FFFFFFF  }
0xca: {  	(tm) =	ssettm $0x7FFFFFFF  }
0xcb: {  	_ =	shalt  }
tec
execute0_lowered:
.L_overlay_start_1:
0x0: {  	(tag) =	ssettag $0x1  }
0x1: {  	s4 =	rddreg [dreg:$0x0]  }
0x2: {  	s3 =	rddreg [dreg:$0x1]  }
0x3: {  	s5 =	rddreg [dreg:$0x2]  }
0x4: {  	s6 =	rddreg [dreg:$0x3]  }
0x5: {  	s0 =	rddreg [dreg:$0x4];
	s2 =	simm.s32 $0x0;
	s7 =	srdreg.scid  }
0x6: {  	s1 =	stileid.u32;
	s11 =	simm.s32 $0x1000;
	s12 =	simm.s32 $0x20000  }
0x7: {  	s13 =	simm.s32 $0x1600;
	s14 =	simm.s32 $0x4600;
	s15 =	simm.s32 $0x0  }
0x8: {  	[smem:$0x7FF] =	sst s2;
	s7 =	sand.u32 $0x1, s7;
	s9 =	sshll.u32 s1, $0x9  }
0x9: {  	s3 =	sadd.s32 $0x1000, s3;
	s8 =	ssub.s32 $0x2, s7;
	s7 =	sshll.u32 s7, $0xD  }
0xa: {  	_ =	strace $0x80000047;
	s10 =	sshrl.u32 s8, $0x1;
	s7 =	sor.u32 s9, s7  }
0xb: {  	s8 =	ssub.s32 s8, s10;
	s9 =	sshrl.u32 s7, $0x3;
	s5 =	sadd.s32 s5, s7  }
0xc: {  	s6 =	sadd.s32 s6, s7;
	s10 =	simm.s32 $0x2;
	s4 =	sadd.s32 s4, s9  }
0xd: {  	s7 =	smax.u32 s8, $0x1;
	s8 =	simm.s32 $0x200;
	s9 =	simm.s32 $0x1  }
.LBB2_1:
0xe: {  	[tilespmem:s2], [sflag:$0x1] =	stream.linear.gather [hbm4b:s4+s2], $0x200, $0x38;
	[tilespmem:$0x7600] =	vst v63  }
0xf: {  	_ = 	snop  }
0x10: {  	[tilespmem:s8], [sflag:$0x2] =	stream.linear.gather [hbm4b:s3+s2], $0x1400, $0x38;
	[tilespmem:$0x7600] =	vst v63  }
0x11: {  	_ =	swait.ge [sflag:s9], $0x200  }
0x12: {  	[sflag:s9] =	ssyncset.done $0x0  }
0x13: {  	[sflag:s9] =	ssyncadd.s32 $0xFFFFFE00  }
0x14: {  	_ =	swait.ge [sflag:s10], $0x1400  }
0x15: {  	[sflag:s10] =	ssyncset.done $0x0  }
0x16: {  	[sflag:s10] =	ssyncadd.s32 $0xFFFFEC00  }
0x17: {  	v19 =	vld [tilespmem:$0x200]  }
0x18: {  	v21 =	vld [tilespmem:$0x280]  }
0x19: {  	v24 =	vld [tilespmem:$0x300]  }
0x1a: {  	v25 =	vld [tilespmem:$0x380]  }
0x1b: {  	v17 =	vld [tilespmem:$0x400]  }
0x1c: {  	v27 =	vld [tilespmem:$0x480]  }
0x1d: {  	v29 =	vld [tilespmem:$0x500]  }
0x1e: {  	v18 =	vld [tilespmem:$0x580]  }
0x1f: {  	v16 =	vld [tilespmem:$0x600]  }
0x20: {  	v10 =	vld [tilespmem:$0x680]  }
0x21: {  	v14 =	vld [tilespmem:$0x700]  }
0x22: {  	v8 =	vld [tilespmem:$0x780]  }
0x23: {  	v6 =	vld [tilespmem:$0x800]  }
0x24: {  	v5 =	vld [tilespmem:$0x880]  }
0x25: {  	v7 =	vld [tilespmem:$0x900]  }
0x26: {  	v4 =	vld [tilespmem:$0x980]  }
0x27: {  	v3 =	vld [tilespmem:$0xA00]  }
0x28: {  	v1 =	vld [tilespmem:$0xA80]  }
0x29: {  	v2 =	vld [tilespmem:$0xB00]  }
0x2a: {  	v0 =	vld [tilespmem:$0xB80]  }
0x2b: {  	v34 =	vld [tilespmem:$0xC00]  }
0x2c: {  	v35 =	vld [tilespmem:$0xC80]  }
0x2d: {  	v37 =	vld [tilespmem:$0xD00]  }
0x2e: {  	v38 =	vld [tilespmem:$0xD80]  }
0x2f: {  	v36 =	vld [tilespmem:$0xE00]  }
0x30: {  	v39 =	vld [tilespmem:$0xE80]  }
0x31: {  	v40 =	vld [tilespmem:$0xF00]  }
0x32: {  	v32 =	vld [tilespmem:$0xF80]  }
0x33: {  	v31 =	vld [tilespmem:$0x1000]  }
0x34: {  	v30 =	vld [tilespmem:$0x1080]  }
0x35: {  	v9 =	vld [tilespmem:s2+$0x0]  }
0x36: {  	v33 =	vld [tilespmem:$0x1100]  }
0x37: {  	v26 =	vld [tilespmem:$0x1180]  }
0x38: {  	v22 =	vld [tilespmem:$0x1200]  }
0x39: {  	v23 =	vld [tilespmem:$0x1280]  }
0x3a: {  	v28 =	vld [tilespmem:$0x1300];
	v11 =	vshrl.u32 v9, $0x1B  }
0x3b: {  	v15 =	vld [tilespmem:$0x1380];
	v11 =	vand.u32 $0x10, v11  }
0x3c: {  	v12 =	vld [tilespmem:$0x1400];
	v20 =	vadd.s32 v9, v11  }
0x3d: {  	s16 =	sand.u32 $0x70, s2;
	s17 =	sand.u32 $0xC00, s2;
	v13 =	vld [tilespmem:$0x1480];
	v41 =	vperm.xlane v19, v20  }
0x3e: {  	s16 =	sor.u32 s16, s17;
	v11 =	vld [tilespmem:$0x1500];
	v42 =	vperm.xlane v37, v20  }
0x3f: {  	v9 =	vld [tilespmem:$0x1580];
	v59 =	vperm.xlane v34, v20;
	[tilespmem:s16+$0x1600] =	vst v41  }
0x40: {  	v43 =	vperm.xlane v35, v20;
	[tilespmem:s16+$0x4700] =	vst v42  }
0x41: {  	v60 =	vperm.xlane v21, v20;
	[tilespmem:s16+$0x4600] =	vst v59  }
0x42: {  	s31 =	sand.u32 $0xFFFFFC00, s2;
	v61 =	vperm.xlane v24, v20;
	[tilespmem:s16+$0x4680] =	vst v43  }
0x43: {  	s18 =	sadd.s32 $0x0, s31;
	v62 =	vperm.xlane v25, v20;
	[tilespmem:s16+$0x1680] =	vst v60  }
0x44: {  	s19 =	sor.u32 $0x180, s18;
	v63 =	vperm.xlane v38, v20;
	[tilespmem:s16+$0x1700] =	vst v61  }
0x45: {  	v44 =	vperm.xlane v40, v20;
	[tilespmem:s19+$0x1600] =	vst v62  }
0x46: {  	s20 =	simm.s32 $0x0;
	v43 =	vperm.xlane v29, v20;
	[tilespmem:s19+$0x4600] =	vst v63  }
0x47: {  	s21 =	simm.s32 $0x0;
	s17 =	sor.u32 s2, s2;
	v41 =	vperm.xlane v27, v20;
	v42 =	vperm.xlane v39, v20;
	s19 =	simm.s32 $0x10;
	[tilespmem:s16+$0x4900] =	vst v44  }
.LBB2_2:
0x48: {  	p0 =	sne.s32 s19, $0x1F0;
	[tilespmem:s16+$0x1900] =	vst v43;
	s20 =	sadd.s32 $0x80, s20;
	s21 =	sadd.s32 $0x10, s21  }
0x49: {  	v43 =	vperm.xlane v36, v20;
	s22 =	smov.u32 s19;
	s23 =	sor.u32 s19, s20;
	[tilespmem:s16+$0x4880] =	vst v42;
	s19 =	sadd.s32 $0x10, s19  }
0x4a: {  	v42 =	vperm.xlane v17, v20;
	[tilespmem:s16+$0x1880] =	vst v41  }
0x4b: {  	v41 =	vperm.xlane v18, v20;
	[tilespmem:s16+$0x4800] =	vst v43  }
0x4c: {  	s24 =	sor.u32 $0x380, s17;
	[tilespmem:s16+$0x1800] =	vst v42;
	v42 =	vperm.xlane v32, v20  }
0x4d: {  	[tilespmem:s24+$0x1600] =	vst v41;
	v41 =	vperm.xlane v33, v20  }
0x4e: {  	[tilespmem:s24+$0x4600] =	vst v42;
	v42 =	vperm.xlane v16, v20  }
0x4f: {  	v43 =	vperm.xlane v31, v20;
	[tilespmem:s16+$0x5700] =	vst v41  }
0x50: {  	v41 =	vperm.xlane v14, v20;
	[tilespmem:s16+$0x2600] =	vst v42  }
0x51: {  	v42 =	vperm.xlane v30, v20;
	[tilespmem:s16+$0x5600] =	vst v43  }
0x52: {  	v43 =	vperm.xlane v10, v20;
	[tilespmem:s16+$0x2700] =	vst v41  }
0x53: {  	v41 =	vperm.xlane v8, v20;
	[tilespmem:s16+$0x5680] =	vst v42  }
0x54: {  	s24 =	sor.u32 $0x1180, s18;
	v42 =	vperm.xlane v26, v20;
	[tilespmem:s16+$0x2680] =	vst v43  }
0x55: {  	[tilespmem:s24+$0x1600] =	vst v41;
	v41 =	vperm.xlane v28, v20  }
0x56: {  	[tilespmem:s24+$0x4600] =	vst v42;
	v42 =	vperm.xlane v22, v20  }
0x57: {  	v43 =	vperm.xlane v23, v20;
	[tilespmem:s16+$0x5900] =	vst v41  }
0x58: {  	v41 =	vperm.xlane v7, v20;
	[tilespmem:s16+$0x5800] =	vst v42  }
0x59: {  	v42 =	vperm.xlane v6, v20;
	[tilespmem:s16+$0x5880] =	vst v43  }
0x5a: {  	v43 =	vperm.xlane v5, v20;
	[tilespmem:s16+$0x2900] =	vst v41  }
0x5b: {  	v41 =	vperm.xlane v4, v20;
	[tilespmem:s16+$0x2800] =	vst v42  }
0x5c: {  	s24 =	sor.u32 $0x1380, s17;
	s17 =	smov.u32 s23;
	v42 =	vperm.xlane v15, v20;
	[tilespmem:s16+$0x2880] =	vst v43  }
0x5d: {  	[tilespmem:s24+$0x1600] =	vst v41;
	v41 =	vperm.xlane v3, v20  }
0x5e: {  	[tilespmem:s24+$0x4600] =	vst v42;
	v42 =	vperm.xlane v12, v20  }
0x5f: {  	[tilespmem:s16+$0x3600] =	vst v41;
	v41 =	vperm.xlane v13, v20  }
0x60: {  	[tilespmem:s16+$0x6600] =	vst v42;
	v42 =	vperm.xlane v2, v20  }
0x61: {  	[tilespmem:s16+$0x6680] =	vst v41;
	v41 =	vperm.xlane v11, v20  }
0x62: {  	v43 =	vperm.xlane v1, v20;
	[tilespmem:s16+$0x3700] =	vst v42  }
0x63: {  	[tilespmem:s16+$0x6700] =	vst v41;
	v41 =	vperm.xlane v0, v20;
	v20 =	vperm.xlane v9, v20  }
0x64: {  	[tilespmem:s16+$0x3680] =	vst v43;
	s16 =	sor.u32 $0x2180, s18  }
0x65: {  	[tilespmem:s16+$0x1600] =	vst v41  }
0x66: {  	[tilespmem:s16+$0x4600] =	vst v20  }
0x67: {  	v20 =	vld [tilespmem:s21+$0x0];
	_ =	sdelay $0x4  }
0x68: {  	v41 =	vshrl.u32 v20, $0x1B  }
0x69: {  	v41 =	vand.u32 $0x10, v41  }
0x6a: {  	v20 =	vadd.s32 v20, v41  }
0x6b: {  	s18 =	sand.u32 $0xC00, s20;
	s16 =	sand.u32 $0x70, s22;
	v41 =	vperm.xlane v19, v20;
	v44 =	vperm.xlane v40, v20  }
0x6c: {  	s16 =	sor.u32 s16, s18;
	v42 =	vperm.xlane v21, v20;
	v43 =	vperm.xlane v37, v20  }
0x6d: {  	v45 =	vperm.xlane v24, v20;
	[tilespmem:s16+$0x1600] =	vst v41;
	v41 =	vperm.xlane v34, v20  }
0x6e: {  	v46 =	vperm.xlane v35, v20;
	[tilespmem:s16+$0x4700] =	vst v43  }
0x6f: {  	[tilespmem:s16+$0x4600] =	vst v41  }
0x70: {  	s18 =	sand.u32 $0xFFFFFC00, s20;
	[tilespmem:s16+$0x4680] =	vst v46  }
.Ltmp0:
0x71: {  	s18 =	sadd.s32 s18, s22;
	v41 =	vperm.xlane v25, v20;
	[tilespmem:s16+$0x1680] =	vst v42;
	(pc) =	sbr.rel @p0 .LBB2_2-.Ltmp0, $4  }
0x72: {  	s22 =	sor.u32 $0x180, s18;
	v42 =	vperm.xlane v38, v20;
	[tilespmem:s16+$0x1700] =	vst v45  }
0x73: {  	[tilespmem:s22+$0x1600] =	vst v41;
	v41 =	vperm.xlane v27, v20  }
0x74: {  	v43 =	vperm.xlane v29, v20;
	[tilespmem:s22+$0x4600] =	vst v42  }
0x75: {  	v42 =	vperm.xlane v39, v20;
	[tilespmem:s16+$0x4900] =	vst v44  }
0x76: {  	[tilespmem:s16+$0x1900] =	vst v43  }
0x77: {  	v19 =	vperm.xlane v36, v20;
	[tilespmem:s16+$0x1880] =	vst v41  }
0x78: {  	v17 =	vperm.xlane v17, v20;
	[tilespmem:s16+$0x4880] =	vst v42  }
0x79: {  	v18 =	vperm.xlane v18, v20;
	[tilespmem:s16+$0x4800] =	vst v19  }
0x7a: {  	s19 =	sor.u32 $0x380, s17;
	v51 =	vperm.xlane v32, v20;
	[tilespmem:s16+$0x1800] =	vst v17  }
0x7b: {  	v52 =	vperm.xlane v33, v20;
	[tilespmem:s19+$0x1600] =	vst v18  }
0x7c: {  	v16 =	vperm.xlane v16, v20;
	[tilespmem:s19+$0x4600] =	vst v51  }
0x7d: {  	v53 =	vperm.xlane v31, v20;
	[tilespmem:s16+$0x5700] =	vst v52  }
0x7e: {  	v14 =	vperm.xlane v14, v20;
	[tilespmem:s16+$0x2600] =	vst v16  }
0x7f: {  	v54 =	vperm.xlane v30, v20;
	[tilespmem:s16+$0x5600] =	vst v53  }
0x80: {  	v10 =	vperm.xlane v10, v20;
	[tilespmem:s16+$0x2700] =	vst v14  }
0x81: {  	v8 =	vperm.xlane v8, v20;
	[tilespmem:s16+$0x5680] =	vst v54  }
0x82: {  	s29 =	sor.u32 $0x1180, s18;
	v55 =	vperm.xlane v26, v20;
	[tilespmem:s16+$0x2680] =	vst v10  }
0x83: {  	v56 =	vperm.xlane v28, v20;
	[tilespmem:s29+$0x1600] =	vst v8  }
0x84: {  	v57 =	vperm.xlane v22, v20;
	[tilespmem:s29+$0x4600] =	vst v55  }
0x85: {  	v58 =	vperm.xlane v23, v20;
	[tilespmem:s16+$0x5900] =	vst v56  }
0x86: {  	v7 =	vperm.xlane v7, v20;
	[tilespmem:s16+$0x5800] =	vst v57  }
0x87: {  	v6 =	vperm.xlane v6, v20;
	[tilespmem:s16+$0x5880] =	vst v58  }
0x88: {  	v5 =	vperm.xlane v5, v20;
	[tilespmem:s16+$0x2900] =	vst v7  }
0x89: {  	v4 =	vperm.xlane v4, v20;
	[tilespmem:s16+$0x2800] =	vst v6  }
0x8a: {  	s30 =	sor.u32 $0x1380, s17;
	v59 =	vperm.xlane v15, v20;
	[tilespmem:s16+$0x2880] =	vst v5  }
0x8b: {  	v3 =	vperm.xlane v3, v20;
	[tilespmem:s30+$0x1600] =	vst v4  }
0x8c: {  	v60 =	vperm.xlane v12, v20;
	[tilespmem:s30+$0x4600] =	vst v59  }
0x8d: {  	v61 =	vperm.xlane v13, v20;
	[tilespmem:s16+$0x3600] =	vst v3  }
0x8e: {  	v2 =	vperm.xlane v2, v20;
	[tilespmem:s16+$0x6600] =	vst v60  }
0x8f: {  	v62 =	vperm.xlane v11, v20;
	[tilespmem:s16+$0x6680] =	vst v61  }
0x90: {  	v1 =	vperm.xlane v1, v20;
	[tilespmem:s16+$0x3700] =	vst v2  }
0x91: {  	v0 =	vperm.xlane v0, v20;
	[tilespmem:s16+$0x6700] =	vst v62  }
0x92: {  	v63 =	vperm.xlane v9, v20;
	s31 =	sor.u32 $0x2180, s18;
	[tilespmem:s16+$0x3680] =	vst v1  }
0x93: {  	[tilespmem:s31+$0x1600] =	vst v0  }
0x94: {  	[tilespmem:s31+$0x4600] =	vst v63  }
0x95: {  	[hbm4b:s5+s11] =	stream.strided.scatter [tilespmem:s13], [sflag:$0x1], $0x3000, s12, s11, $0x38;
	[tilespmem:$0x7600] =	vst v63  }
0x96: {  	s15 =	sadd.s32 $0x1, s15  }
0x97: {  	[hbm4b:s6+s11] =	stream.strided.scatter [tilespmem:s14], [sflag:$0x2], $0x3000, s12, s11, $0x38;
	[tilespmem:$0x7600] =	vst v63  }
0x98: {  	p0 =	sne.s32 s15, s7;
	_ =	swait.ge [sflag:s9], $0x3000  }
.Ltmp1:
0x99: {  	[sflag:s9] =	ssyncset.done $0x0;
	(pc) =	sbr.rel @p0 .LBB2_1-.Ltmp1, $4  }
0x9a: {  	[sflag:s9] =	ssyncadd.s32 $0xFFFFD000  }
0x9b: {  	_ =	swait.ge [sflag:s10], $0x3000  }
0x9c: {  	[sflag:s10] =	ssyncset.done $0x0  }
0x9d: {  	[sflag:s10] =	ssyncadd.s32 $0xFFFFD000  }
0x9e: {  	_ =	sfence.sel $0x180000  }
0x9f: {  	[bflag:$0x0] =	sbarrier.arrive $0xFFFF  }
0xa0: {  	p0 =	sne.s32 s1, $0x0;
	_ =	strace $0x90000047  }
0xa1: {  	s0 =	sadd.s32 @!p0 $0x100000, s0;
	[bflag:$0x2] =	sbarrier.arrive $0xFFFF  }
0xa2: {  	[sflag:s0] =	ssyncadd.tile.s32 @!p0 $0x1;
	_ =	shalt  }
.Lfunc_end2:
_tile_overlayer_lowered:
.L_overlay_start_2:
0xa3: {  	(tag) =	ssettag $0x2  }
0xa4: {  	s0 =	rddreg [dreg:$0x0];
	s2 =	stileid.u32  }
0xa5: {  	s1 =	rddreg [dreg:$0x1];
	p0 =	sne.s32 s2, $0x0  }
0xa6: {  	s3 =	rddreg [dreg:$0x2];
	[bflag:$0x3] =	sbarrier.arrive $0xFFFF;
	s2 =	simm.s32 @!p0 $0x1C03  }
0xa7: {  	[timem:s3], [sflag:s2] =	dma.local @!p0 [hbm:s0], s1  }
0xa8: {  	s0 =	simm.s32 @!p0 $0x3  }
0xa9: {  	_ =	swait.ge @!p0 [sflag:s0], s1  }
0xaa: {  	s1 =	ssub.s32 @!p0 $0x0, s1;
	[sflag:s0] =	ssyncset.done @!p0 $0x0  }
0xab: {  	[sflag:s0] =	ssyncadd.s32 @!p0 s1  }
0xac: {  	[bflag:$0x3] =	sbarrier.arrive $0xFFFF  }
0xad: {  	_ =	shalt  }

</sc_bundles>
